<compile_context>
chip_gen: v7x
topology: tpu7x:2x2x1
jax: 0.10.2.dev20260603
libtpu: 0.0.44.dev20260713+nightly
codegen_flags: <defaults>
</compile_context>

<pallas_src>
import functools

import jax
import jax.numpy as jnp
from jax import lax
from jax.experimental import pallas as pl
from jax.experimental.pallas import tpu as pltpu
from jax.experimental.pallas import tpu_sc as plsc

_DIM = 256
_NE = 8192
_TM = 256
_CK = 1024

_NC = 2
_NS = 16
_NW = _NC * _NS
_CH = 128


def _argmin_tile(x_ref, em2_ref, e2_ref, idx_ref, dsum_ref):
    x = x_ref[...]
    x2 = jnp.sum(x * x, axis=1, keepdims=True)
    best_s = None
    best_i = None
    _Q = 4
    _QW = _CK // _Q
    ii = lax.broadcasted_iota(jnp.int32, (_TM, _QW), 1).astype(jnp.float32)
    iis = [ii + float(q * _QW) for q in range(_Q)]
    for j in range(_NE // _CK):
        em2 = em2_ref[:, j * _CK:(j + 1) * _CK]
        e2 = e2_ref[:, j * _CK:(j + 1) * _CK]
        mm2 = jnp.dot(x, em2, preferred_element_type=jnp.float32)
        s = mm2 + e2
        m = jnp.min(s, axis=1, keepdims=True)
        packed = jnp.full((_TM, _QW), float(_NE), jnp.float32)
        for q in range(_Q - 1, -1, -1):
            sq = s[:, q * _QW:(q + 1) * _QW]
            packed = jnp.where(sq == m, iis[q], packed)
        cand = jnp.min(packed, axis=1, keepdims=True) + float(j * _CK)
        if best_s is None:
            best_s, best_i = m, cand
        else:
            better = m < best_s
            best_i = jnp.where(better, cand, best_i)
            best_s = jnp.where(better, m, best_s)
    idx_ref[...] = best_i.astype(jnp.int32)
    dsum_ref[...] = jnp.sum(x2 + best_s, axis=0, keepdims=True).reshape(1, 1, 1)


def _tc_argmin(flat, em2, e2):
    nt = flat.shape[0] // _TM
    idx, dsum = pl.pallas_call(
        _argmin_tile,
        grid=(nt,),
        in_specs=[
            pl.BlockSpec((_TM, _DIM), lambda i: (i, 0)),
            pl.BlockSpec((_DIM, _NE), lambda i: (0, 0)),
            pl.BlockSpec((1, _NE), lambda i: (0, 0)),
        ],
        out_specs=[
            pl.BlockSpec((_TM, 1), lambda i: (i, 0)),
            pl.BlockSpec((1, 1, 1), lambda i: (i, 0, 0)),
        ],
        out_shape=[
            jax.ShapeDtypeStruct((flat.shape[0], 1), jnp.int32),
            jax.ShapeDtypeStruct((nt, 1, 1), jnp.float32),
        ],
    )(flat, em2, e2)
    return idx[:, 0], dsum


def _sc_gather(table, idx):
    B = idx.shape[0]
    bw = B // _NW
    nch = bw // _CH
    idx3 = idx.reshape(_NW, nch, _CH)
    mesh = plsc.VectorSubcoreMesh(core_axis_name="c", subcore_axis_name="s")

    @functools.partial(
        pl.kernel,
        mesh=mesh,
        out_type=jax.ShapeDtypeStruct((B, _DIM), jnp.float32),
        scratch_types=[
            pltpu.VMEM((nch, _CH), jnp.int32),
            pltpu.VMEM((_CH, _DIM), jnp.float32),
            pltpu.VMEM((_CH, _DIM), jnp.float32),
            pltpu.VMEM((_CH, _DIM), jnp.float32),
            pltpu.SemaphoreType.DMA,
            pltpu.SemaphoreType.DMA,
            pltpu.SemaphoreType.DMA,
            pltpu.SemaphoreType.DMA,
            pltpu.SemaphoreType.DMA,
            pltpu.SemaphoreType.DMA,
        ],
    )
    def k(table_hbm, idx_hbm, out_hbm, idx_v, b0, b1, b2, g0, g1, g2, s0, s1, s2):
        wid = lax.axis_index("s") * _NC + lax.axis_index("c")
        base = wid * bw
        bufs = (b0, b1, b2)
        gsem = (g0, g1, g2)
        ssem = (s0, s1, s2)

        def gather(c):
            return pltpu.make_async_copy(
                table_hbm.at[idx_v.at[c]], bufs[c % 3], gsem[c % 3])

        def store(c):
            return pltpu.make_async_copy(
                bufs[c % 3], out_hbm.at[pl.ds(base + c * _CH, _CH)], ssem[c % 3])

        pltpu.sync_copy(idx_hbm.at[wid], idx_v)
        for c in range(min(3, nch)):
            gather(c).start()
        for c in range(nch):
            gather(c).wait()
            store(c).start()
            if c + 3 < nch:
                store(c).wait()
                gather(c + 3).start()
        for c in range(max(0, nch - 3), nch):
            store(c).wait()

    return k(table, idx3)


def kernel(inputs, embed):
    flat = inputs.reshape(-1, _DIM)
    e2 = jnp.sum(embed ** 2, axis=0, keepdims=True)
    em2 = -2.0 * embed
    et = embed.T
    idx, dsum = _tc_argmin(flat, em2, e2)
    q = _sc_gather(et, idx)
    quantize = q.reshape(inputs.shape)
    diff = jnp.sum(dsum) / (flat.shape[0] * _DIM)
    embed_ind = idx.reshape(inputs.shape[:-1])
    return (quantize, diff, embed_ind)

# --- scband reference (transcript-rebuilt; emitter-appended) ---
"""Pipeline reference for scband-quantize-65412351918207 (READ-ONLY COPY).

The authoritative reference and input builder live on the scoring server;
editing this copy changes nothing except your own understanding.
"""

import jax, jax.numpy as jnp
import numpy as np

DIM = 256
N_EMBED = 8192

def setup_inputs(seed: int = 0) -> dict:
    key = jax.random.key(seed)
    k1, k2 = jax.random.split(key)
    inputs = jax.random.normal(k1, (32, 1024, DIM), dtype=jnp.float32)
    # learned codebook buffer, shape (dim, n_embed) as in the torch module
    embed = jax.random.normal(k2, (DIM, N_EMBED), dtype=jnp.float32)
    return {"inputs": inputs, "embed": embed}

def reference(inputs, embed):
    # eval-mode forward (self.training == False): no EMA buffer updates
    flatten = inputs.reshape(-1, DIM)
    dist = (jnp.sum(flatten ** 2, axis=1, keepdims=True)
            - 2.0 * (flatten @ embed)
            + jnp.sum(embed ** 2, axis=0, keepdims=True))
    embed_ind_flat = jnp.argmax(-dist, axis=1)
    embed_ind = embed_ind_flat.reshape(inputs.shape[:-1])
    # embed_code: F.embedding(embed_id, embed.T) -> gather rows of embed.T
    quantize = jnp.take(embed.T, embed_ind, axis=0)
    diff = jnp.mean((jax.lax.stop_gradient(quantize) - inputs) ** 2)
    quantize_st = inputs + jax.lax.stop_gradient(quantize - inputs)
    return (quantize_st, diff, embed_ind)

if __name__ == "__main__":
    import jax
    _d = setup_inputs()
    print(jax.jit(kernel)(*tuple(_d.values())))

</pallas_src>

<mosaic_0001>
#map = affine_map<(d0, d1) -> (0, 0)>
#map1 = affine_map<(d0, d1) -> (0, 0, 0)>
module attributes {stable_mosaic.version = 14 : i64} {
  func.func @k(%arg0: i32, %arg1: i32, %arg2: memref<8192x256xf32, #tpu.memory_space<hbm>>, %arg3: memref<32x8x128xi32, #tpu.memory_space<hbm>>, %arg4: memref<32768x256xf32, #tpu.memory_space<hbm>>, %arg5: memref<8x128xi32, #tpu.memory_space<vmem>>, %arg6: memref<128x256xf32, #tpu.memory_space<vmem>>, %arg7: memref<128x256xf32, #tpu.memory_space<vmem>>, %arg8: memref<128x256xf32, #tpu.memory_space<vmem>>, %arg9: memref<!tpu.dma_semaphore, #tpu.memory_space<semaphore_mem>>, %arg10: memref<!tpu.dma_semaphore, #tpu.memory_space<semaphore_mem>>, %arg11: memref<!tpu.dma_semaphore, #tpu.memory_space<semaphore_mem>>, %arg12: memref<!tpu.dma_semaphore, #tpu.memory_space<semaphore_mem>>, %arg13: memref<!tpu.dma_semaphore, #tpu.memory_space<semaphore_mem>>, %arg14: memref<!tpu.dma_semaphore, #tpu.memory_space<semaphore_mem>>) attributes {dimension_semantics = [#tpu.dimension_semantics<core_parallel>, #tpu.dimension_semantics<subcore_parallel>], iteration_bounds = array<i64: 2, 16>, scalar_prefetch = 0 : i64, scratch_operands = 10 : i64, tpu.core_type = #tpu.core_type<sc_vector_subcore>, window_params = [{transform_indices = #map}, {transform_indices = #map1}, {transform_indices = #map}]} {
    %mul3A = arith.constant 2 : i32
    %mul3A_0 = arith.muli %arg1, %mul3A : i32
    %add3A = arith.addi %mul3A_0, %arg0 : i32
    %mul3A_1 = arith.constant 1024 : i32
    %mul3A_2 = arith.muli %add3A, %mul3A_1 : i32
    "tpu.region"() ({
      %run_scoped3A = tpu.sem_alloc : memref<!tpu.dma_semaphore, #tpu.memory_space<semaphore_mem>>
      %dma_start3A_209 = arith.constant 0 : i32
      %dma_start3A_210 = arith.constant 0 : i32
      %dma_start3A_211 = tpu.memref_slice %arg3[%add3A, %dma_start3A_209, %dma_start3A_210] : memref<32x8x128xi32, #tpu.memory_space<hbm>> -> memref<1x8x128xi32, #tpu.memory_space<hbm>>
      %dma_start3A_212 = tpu.memref_squeeze %dma_start3A_211 : memref<1x8x128xi32, #tpu.memory_space<hbm>> -> memref<8x128xi32, #tpu.memory_space<hbm>>
      %dma_start3A_213 = arith.constant 0 : i32
      %dma_start3A_214 = arith.constant 0 : i32
      %dma_start3A_215 = tpu.memref_slice %arg3[%add3A, %dma_start3A_213, %dma_start3A_214] : memref<32x8x128xi32, #tpu.memory_space<hbm>> -> memref<1x8x128xi32, #tpu.memory_space<hbm>>
      %dma_start3A_216 = tpu.memref_squeeze %dma_start3A_215 : memref<1x8x128xi32, #tpu.memory_space<hbm>> -> memref<8x128xi32, #tpu.memory_space<hbm>>
      tpu.enqueue_dma source(%dma_start3A_216 : memref<8x128xi32, #tpu.memory_space<hbm>>) target(%arg5 : memref<8x128xi32, #tpu.memory_space<vmem>>) target_semaphore(%run_scoped3A : memref<!tpu.dma_semaphore, #tpu.memory_space<semaphore_mem>>)
      %dma_wait3A_217 = arith.constant 0 : i32
      %dma_wait3A_218 = arith.constant 0 : i32
      %dma_wait3A_219 = tpu.memref_slice %arg3[%add3A, %dma_wait3A_217, %dma_wait3A_218] : memref<32x8x128xi32, #tpu.memory_space<hbm>> -> memref<1x8x128xi32, #tpu.memory_space<hbm>>
      %dma_wait3A_220 = tpu.memref_squeeze %dma_wait3A_219 : memref<1x8x128xi32, #tpu.memory_space<hbm>> -> memref<8x128xi32, #tpu.memory_space<hbm>>
      %dma_wait3A_221 = arith.constant 0 : i32
      %dma_wait3A_222 = arith.constant 0 : i32
      %dma_wait3A_223 = tpu.memref_slice %arg3[%add3A, %dma_wait3A_221, %dma_wait3A_222] : memref<32x8x128xi32, #tpu.memory_space<hbm>> -> memref<1x8x128xi32, #tpu.memory_space<hbm>>
      %dma_wait3A_224 = tpu.memref_squeeze %dma_wait3A_223 : memref<1x8x128xi32, #tpu.memory_space<hbm>> -> memref<8x128xi32, #tpu.memory_space<hbm>>
      tpu.wait_dma2 semaphore(%run_scoped3A : memref<!tpu.dma_semaphore, #tpu.memory_space<semaphore_mem>>) src(%dma_wait3A_224 : memref<8x128xi32, #tpu.memory_space<hbm>>) dst(%arg5 : memref<8x128xi32, #tpu.memory_space<vmem>>)
      tpu.yield
    }) : () -> ()
    %dma_start3A = arith.constant 0 : i32
    %dma_start3A_3 = arith.constant 0 : i32
    %dma_start3A_4 = tpu.memref_slice %arg5[%dma_start3A, %dma_start3A_3] : memref<8x128xi32, #tpu.memory_space<vmem>> -> memref<1x128xi32, #tpu.memory_space<vmem>>
    %dma_start3A_5 = tpu.memref_squeeze %dma_start3A_4 : memref<1x128xi32, #tpu.memory_space<vmem>> -> memref<128xi32, #tpu.memory_space<vmem>>
    %dma_start3A_6 = arith.constant 0 : i32
    %dma_start3A_7 = arith.constant 0 : i32
    %dma_start3A_8 = tpu.memref_slice %arg2[%dma_start3A_6, %dma_start3A_7] : memref<8192x256xf32, #tpu.memory_space<hbm>> -> memref<8192x256xf32, #tpu.memory_space<hbm>>
    tpu.enqueue_indirect_dma source(%dma_start3A_8 : memref<8192x256xf32, #tpu.memory_space<hbm>>) target(%arg6 : memref<128x256xf32, #tpu.memory_space<vmem>>) offsets(%dma_start3A_5 : memref<128xi32, #tpu.memory_space<vmem>>) semaphore(%arg9 : memref<!tpu.dma_semaphore, #tpu.memory_space<semaphore_mem>>)
    %dma_start3A_9 = arith.constant 1 : i32
    %dma_start3A_10 = arith.constant 0 : i32
    %dma_start3A_11 = tpu.memref_slice %arg5[%dma_start3A_9, %dma_start3A_10] : memref<8x128xi32, #tpu.memory_space<vmem>> -> memref<1x128xi32, #tpu.memory_space<vmem>>
    %dma_start3A_12 = tpu.memref_squeeze %dma_start3A_11 : memref<1x128xi32, #tpu.memory_space<vmem>> -> memref<128xi32, #tpu.memory_space<vmem>>
    %dma_start3A_13 = arith.constant 0 : i32
    %dma_start3A_14 = arith.constant 0 : i32
    %dma_start3A_15 = tpu.memref_slice %arg2[%dma_start3A_13, %dma_start3A_14] : memref<8192x256xf32, #tpu.memory_space<hbm>> -> memref<8192x256xf32, #tpu.memory_space<hbm>>
    tpu.enqueue_indirect_dma source(%dma_start3A_15 : memref<8192x256xf32, #tpu.memory_space<hbm>>) target(%arg7 : memref<128x256xf32, #tpu.memory_space<vmem>>) offsets(%dma_start3A_12 : memref<128xi32, #tpu.memory_space<vmem>>) semaphore(%arg10 : memref<!tpu.dma_semaphore, #tpu.memory_space<semaphore_mem>>)
    %dma_start3A_16 = arith.constant 2 : i32
    %dma_start3A_17 = arith.constant 0 : i32
    %dma_start3A_18 = tpu.memref_slice %arg5[%dma_start3A_16, %dma_start3A_17] : memref<8x128xi32, #tpu.memory_space<vmem>> -> memref<1x128xi32, #tpu.memory_space<vmem>>
    %dma_start3A_19 = tpu.memref_squeeze %dma_start3A_18 : memref<1x128xi32, #tpu.memory_space<vmem>> -> memref<128xi32, #tpu.memory_space<vmem>>
    %dma_start3A_20 = arith.constant 0 : i32
    %dma_start3A_21 = arith.constant 0 : i32
    %dma_start3A_22 = tpu.memref_slice %arg2[%dma_start3A_20, %dma_start3A_21] : memref<8192x256xf32, #tpu.memory_space<hbm>> -> memref<8192x256xf32, #tpu.memory_space<hbm>>
    tpu.enqueue_indirect_dma source(%dma_start3A_22 : memref<8192x256xf32, #tpu.memory_space<hbm>>) target(%arg8 : memref<128x256xf32, #tpu.memory_space<vmem>>) offsets(%dma_start3A_19 : memref<128xi32, #tpu.memory_space<vmem>>) semaphore(%arg11 : memref<!tpu.dma_semaphore, #tpu.memory_space<semaphore_mem>>)
    %dma_wait3A = arith.constant 0 : i32
    %dma_wait3A_23 = arith.constant 0 : i32
    %dma_wait3A_24 = tpu.memref_slice %arg5[%dma_wait3A, %dma_wait3A_23] : memref<8x128xi32, #tpu.memory_space<vmem>> -> memref<1x128xi32, #tpu.memory_space<vmem>>
    %dma_wait3A_25 = tpu.memref_squeeze %dma_wait3A_24 : memref<1x128xi32, #tpu.memory_space<vmem>> -> memref<128xi32, #tpu.memory_space<vmem>>
    %dma_wait3A_26 = arith.constant 0 : i32
    %dma_wait3A_27 = arith.constant 0 : i32
    %dma_wait3A_28 = tpu.memref_slice %arg2[%dma_wait3A_26, %dma_wait3A_27] : memref<8192x256xf32, #tpu.memory_space<hbm>> -> memref<8192x256xf32, #tpu.memory_space<hbm>>
    tpu.wait_indirect_dma semaphore(%arg9 : memref<!tpu.dma_semaphore, #tpu.memory_space<semaphore_mem>>) src(%dma_wait3A_28 : memref<8192x256xf32, #tpu.memory_space<hbm>>) dst(%arg6 : memref<128x256xf32, #tpu.memory_space<vmem>>)
    %add3A_29 = arith.constant 0 : i32
    %add3A_30 = arith.addi %mul3A_2, %add3A_29 : i32
    %dma_start3A_31 = arith.constant 0 : i32
    %dma_start3A_32 = tpu.memref_slice %arg4[%add3A_30, %dma_start3A_31] : memref<32768x256xf32, #tpu.memory_space<hbm>> -> memref<128x256xf32, #tpu.memory_space<hbm>>
    %dma_start3A_33 = arith.constant 0 : i32
    %dma_start3A_34 = tpu.memref_slice %arg4[%add3A_30, %dma_start3A_33] : memref<32768x256xf32, #tpu.memory_space<hbm>> -> memref<128x256xf32, #tpu.memory_space<hbm>>
    tpu.enqueue_dma source(%arg6 : memref<128x256xf32, #tpu.memory_space<vmem>>) target(%dma_start3A_34 : memref<128x256xf32, #tpu.memory_space<hbm>>) target_semaphore(%arg12 : memref<!tpu.dma_semaphore, #tpu.memory_space<semaphore_mem>>)
    %add3A_35 = arith.constant 0 : i32
    %add3A_36 = arith.addi %mul3A_2, %add3A_35 : i32
    %dma_wait3A_37 = arith.constant 0 : i32
    %dma_wait3A_38 = tpu.memref_slice %arg4[%add3A_36, %dma_wait3A_37] : memref<32768x256xf32, #tpu.memory_space<hbm>> -> memref<128x256xf32, #tpu.memory_space<hbm>>
    %dma_wait3A_39 = arith.constant 0 : i32
    %dma_wait3A_40 = tpu.memref_slice %arg4[%add3A_36, %dma_wait3A_39] : memref<32768x256xf32, #tpu.memory_space<hbm>> -> memref<128x256xf32, #tpu.memory_space<hbm>>
    tpu.wait_dma2 semaphore(%arg12 : memref<!tpu.dma_semaphore, #tpu.memory_space<semaphore_mem>>) src(%arg6 : memref<128x256xf32, #tpu.memory_space<vmem>>) dst(%dma_wait3A_40 : memref<128x256xf32, #tpu.memory_space<hbm>>)
    %dma_start3A_41 = arith.constant 3 : i32
    %dma_start3A_42 = arith.constant 0 : i32
    %dma_start3A_43 = tpu.memref_slice %arg5[%dma_start3A_41, %dma_start3A_42] : memref<8x128xi32, #tpu.memory_space<vmem>> -> memref<1x128xi32, #tpu.memory_space<vmem>>
    %dma_start3A_44 = tpu.memref_squeeze %dma_start3A_43 : memref<1x128xi32, #tpu.memory_space<vmem>> -> memref<128xi32, #tpu.memory_space<vmem>>
    %dma_start3A_45 = arith.constant 0 : i32
    %dma_start3A_46 = arith.constant 0 : i32
    %dma_start3A_47 = tpu.memref_slice %arg2[%dma_start3A_45, %dma_start3A_46] : memref<8192x256xf32, #tpu.memory_space<hbm>> -> memref<8192x256xf32, #tpu.memory_space<hbm>>
    tpu.enqueue_indirect_dma source(%dma_start3A_47 : memref<8192x256xf32, #tpu.memory_space<hbm>>) target(%arg6 : memref<128x256xf32, #tpu.memory_space<vmem>>) offsets(%dma_start3A_44 : memref<128xi32, #tpu.memory_space<vmem>>) semaphore(%arg9 : memref<!tpu.dma_semaphore, #tpu.memory_space<semaphore_mem>>)
    %dma_wait3A_48 = arith.constant 1 : i32
    %dma_wait3A_49 = arith.constant 0 : i32
    %dma_wait3A_50 = tpu.memref_slice %arg5[%dma_wait3A_48, %dma_wait3A_49] : memref<8x128xi32, #tpu.memory_space<vmem>> -> memref<1x128xi32, #tpu.memory_space<vmem>>
    %dma_wait3A_51 = tpu.memref_squeeze %dma_wait3A_50 : memref<1x128xi32, #tpu.memory_space<vmem>> -> memref<128xi32, #tpu.memory_space<vmem>>
    %dma_wait3A_52 = arith.constant 0 : i32
    %dma_wait3A_53 = arith.constant 0 : i32
    %dma_wait3A_54 = tpu.memref_slice %arg2[%dma_wait3A_52, %dma_wait3A_53] : memref<8192x256xf32, #tpu.memory_space<hbm>> -> memref<8192x256xf32, #tpu.memory_space<hbm>>
    tpu.wait_indirect_dma semaphore(%arg10 : memref<!tpu.dma_semaphore, #tpu.memory_space<semaphore_mem>>) src(%dma_wait3A_54 : memref<8192x256xf32, #tpu.memory_space<hbm>>) dst(%arg7 : memref<128x256xf32, #tpu.memory_space<vmem>>)
    %add3A_55 = arith.constant 128 : i32
    %add3A_56 = arith.addi %mul3A_2, %add3A_55 : i32
    %dma_start3A_57 = arith.constant 0 : i32
    %dma_start3A_58 = tpu.memref_slice %arg4[%add3A_56, %dma_start3A_57] : memref<32768x256xf32, #tpu.memory_space<hbm>> -> memref<128x256xf32, #tpu.memory_space<hbm>>
    %dma_start3A_59 = arith.constant 0 : i32
    %dma_start3A_60 = tpu.memref_slice %arg4[%add3A_56, %dma_start3A_59] : memref<32768x256xf32, #tpu.memory_space<hbm>> -> memref<128x256xf32, #tpu.memory_space<hbm>>
    tpu.enqueue_dma source(%arg7 : memref<128x256xf32, #tpu.memory_space<vmem>>) target(%dma_start3A_60 : memref<128x256xf32, #tpu.memory_space<hbm>>) target_semaphore(%arg13 : memref<!tpu.dma_semaphore, #tpu.memory_space<semaphore_mem>>)
    %add3A_61 = arith.constant 128 : i32
    %add3A_62 = arith.addi %mul3A_2, %add3A_61 : i32
    %dma_wait3A_63 = arith.constant 0 : i32
    %dma_wait3A_64 = tpu.memref_slice %arg4[%add3A_62, %dma_wait3A_63] : memref<32768x256xf32, #tpu.memory_space<hbm>> -> memref<128x256xf32, #tpu.memory_space<hbm>>
    %dma_wait3A_65 = arith.constant 0 : i32
    %dma_wait3A_66 = tpu.memref_slice %arg4[%add3A_62, %dma_wait3A_65] : memref<32768x256xf32, #tpu.memory_space<hbm>> -> memref<128x256xf32, #tpu.memory_space<hbm>>
    tpu.wait_dma2 semaphore(%arg13 : memref<!tpu.dma_semaphore, #tpu.memory_space<semaphore_mem>>) src(%arg7 : memref<128x256xf32, #tpu.memory_space<vmem>>) dst(%dma_wait3A_66 : memref<128x256xf32, #tpu.memory_space<hbm>>)
    %dma_start3A_67 = arith.constant 4 : i32
    %dma_start3A_68 = arith.constant 0 : i32
    %dma_start3A_69 = tpu.memref_slice %arg5[%dma_start3A_67, %dma_start3A_68] : memref<8x128xi32, #tpu.memory_space<vmem>> -> memref<1x128xi32, #tpu.memory_space<vmem>>
    %dma_start3A_70 = tpu.memref_squeeze %dma_start3A_69 : memref<1x128xi32, #tpu.memory_space<vmem>> -> memref<128xi32, #tpu.memory_space<vmem>>
    %dma_start3A_71 = arith.constant 0 : i32
    %dma_start3A_72 = arith.constant 0 : i32
    %dma_start3A_73 = tpu.memref_slice %arg2[%dma_start3A_71, %dma_start3A_72] : memref<8192x256xf32, #tpu.memory_space<hbm>> -> memref<8192x256xf32, #tpu.memory_space<hbm>>
    tpu.enqueue_indirect_dma source(%dma_start3A_73 : memref<8192x256xf32, #tpu.memory_space<hbm>>) target(%arg7 : memref<128x256xf32, #tpu.memory_space<vmem>>) offsets(%dma_start3A_70 : memref<128xi32, #tpu.memory_space<vmem>>) semaphore(%arg10 : memref<!tpu.dma_semaphore, #tpu.memory_space<semaphore_mem>>)
    %dma_wait3A_74 = arith.constant 2 : i32
    %dma_wait3A_75 = arith.constant 0 : i32
    %dma_wait3A_76 = tpu.memref_slice %arg5[%dma_wait3A_74, %dma_wait3A_75] : memref<8x128xi32, #tpu.memory_space<vmem>> -> memref<1x128xi32, #tpu.memory_space<vmem>>
    %dma_wait3A_77 = tpu.memref_squeeze %dma_wait3A_76 : memref<1x128xi32, #tpu.memory_space<vmem>> -> memref<128xi32, #tpu.memory_space<vmem>>
    %dma_wait3A_78 = arith.constant 0 : i32
    %dma_wait3A_79 = arith.constant 0 : i32
    %dma_wait3A_80 = tpu.memref_slice %arg2[%dma_wait3A_78, %dma_wait3A_79] : memref<8192x256xf32, #tpu.memory_space<hbm>> -> memref<8192x256xf32, #tpu.memory_space<hbm>>
    tpu.wait_indirect_dma semaphore(%arg11 : memref<!tpu.dma_semaphore, #tpu.memory_space<semaphore_mem>>) src(%dma_wait3A_80 : memref<8192x256xf32, #tpu.memory_space<hbm>>) dst(%arg8 : memref<128x256xf32, #tpu.memory_space<vmem>>)
    %add3A_81 = arith.constant 256 : i32
    %add3A_82 = arith.addi %mul3A_2, %add3A_81 : i32
    %dma_start3A_83 = arith.constant 0 : i32
    %dma_start3A_84 = tpu.memref_slice %arg4[%add3A_82, %dma_start3A_83] : memref<32768x256xf32, #tpu.memory_space<hbm>> -> memref<128x256xf32, #tpu.memory_space<hbm>>
    %dma_start3A_85 = arith.constant 0 : i32
    %dma_start3A_86 = tpu.memref_slice %arg4[%add3A_82, %dma_start3A_85] : memref<32768x256xf32, #tpu.memory_space<hbm>> -> memref<128x256xf32, #tpu.memory_space<hbm>>
    tpu.enqueue_dma source(%arg8 : memref<128x256xf32, #tpu.memory_space<vmem>>) target(%dma_start3A_86 : memref<128x256xf32, #tpu.memory_space<hbm>>) target_semaphore(%arg14 : memref<!tpu.dma_semaphore, #tpu.memory_space<semaphore_mem>>)
    %add3A_87 = arith.constant 256 : i32
    %add3A_88 = arith.addi %mul3A_2, %add3A_87 : i32
    %dma_wait3A_89 = arith.constant 0 : i32
    %dma_wait3A_90 = tpu.memref_slice %arg4[%add3A_88, %dma_wait3A_89] : memref<32768x256xf32, #tpu.memory_space<hbm>> -> memref<128x256xf32, #tpu.memory_space<hbm>>
    %dma_wait3A_91 = arith.constant 0 : i32
    %dma_wait3A_92 = tpu.memref_slice %arg4[%add3A_88, %dma_wait3A_91] : memref<32768x256xf32, #tpu.memory_space<hbm>> -> memref<128x256xf32, #tpu.memory_space<hbm>>
    tpu.wait_dma2 semaphore(%arg14 : memref<!tpu.dma_semaphore, #tpu.memory_space<semaphore_mem>>) src(%arg8 : memref<128x256xf32, #tpu.memory_space<vmem>>) dst(%dma_wait3A_92 : memref<128x256xf32, #tpu.memory_space<hbm>>)
    %dma_start3A_93 = arith.constant 5 : i32
    %dma_start3A_94 = arith.constant 0 : i32
    %dma_start3A_95 = tpu.memref_slice %arg5[%dma_start3A_93, %dma_start3A_94] : memref<8x128xi32, #tpu.memory_space<vmem>> -> memref<1x128xi32, #tpu.memory_space<vmem>>
    %dma_start3A_96 = tpu.memref_squeeze %dma_start3A_95 : memref<1x128xi32, #tpu.memory_space<vmem>> -> memref<128xi32, #tpu.memory_space<vmem>>
    %dma_start3A_97 = arith.constant 0 : i32
    %dma_start3A_98 = arith.constant 0 : i32
    %dma_start3A_99 = tpu.memref_slice %arg2[%dma_start3A_97, %dma_start3A_98] : memref<8192x256xf32, #tpu.memory_space<hbm>> -> memref<8192x256xf32, #tpu.memory_space<hbm>>
    tpu.enqueue_indirect_dma source(%dma_start3A_99 : memref<8192x256xf32, #tpu.memory_space<hbm>>) target(%arg8 : memref<128x256xf32, #tpu.memory_space<vmem>>) offsets(%dma_start3A_96 : memref<128xi32, #tpu.memory_space<vmem>>) semaphore(%arg11 : memref<!tpu.dma_semaphore, #tpu.memory_space<semaphore_mem>>)
    %dma_wait3A_100 = arith.constant 3 : i32
    %dma_wait3A_101 = arith.constant 0 : i32
    %dma_wait3A_102 = tpu.memref_slice %arg5[%dma_wait3A_100, %dma_wait3A_101] : memref<8x128xi32, #tpu.memory_space<vmem>> -> memref<1x128xi32, #tpu.memory_space<vmem>>
    %dma_wait3A_103 = tpu.memref_squeeze %dma_wait3A_102 : memref<1x128xi32, #tpu.memory_space<vmem>> -> memref<128xi32, #tpu.memory_space<vmem>>
    %dma_wait3A_104 = arith.constant 0 : i32
    %dma_wait3A_105 = arith.constant 0 : i32
    %dma_wait3A_106 = tpu.memref_slice %arg2[%dma_wait3A_104, %dma_wait3A_105] : memref<8192x256xf32, #tpu.memory_space<hbm>> -> memref<8192x256xf32, #tpu.memory_space<hbm>>
    tpu.wait_indirect_dma semaphore(%arg9 : memref<!tpu.dma_semaphore, #tpu.memory_space<semaphore_mem>>) src(%dma_wait3A_106 : memref<8192x256xf32, #tpu.memory_space<hbm>>) dst(%arg6 : memref<128x256xf32, #tpu.memory_space<vmem>>)
    %add3A_107 = arith.constant 384 : i32
    %add3A_108 = arith.addi %mul3A_2, %add3A_107 : i32
    %dma_start3A_109 = arith.constant 0 : i32
    %dma_start3A_110 = tpu.memref_slice %arg4[%add3A_108, %dma_start3A_109] : memref<32768x256xf32, #tpu.memory_space<hbm>> -> memref<128x256xf32, #tpu.memory_space<hbm>>
    %dma_start3A_111 = arith.constant 0 : i32
    %dma_start3A_112 = tpu.memref_slice %arg4[%add3A_108, %dma_start3A_111] : memref<32768x256xf32, #tpu.memory_space<hbm>> -> memref<128x256xf32, #tpu.memory_space<hbm>>
    tpu.enqueue_dma source(%arg6 : memref<128x256xf32, #tpu.memory_space<vmem>>) target(%dma_start3A_112 : memref<128x256xf32, #tpu.memory_space<hbm>>) target_semaphore(%arg12 : memref<!tpu.dma_semaphore, #tpu.memory_space<semaphore_mem>>)
    %add3A_113 = arith.constant 384 : i32
    %add3A_114 = arith.addi %mul3A_2, %add3A_113 : i32
    %dma_wait3A_115 = arith.constant 0 : i32
    %dma_wait3A_116 = tpu.memref_slice %arg4[%add3A_114, %dma_wait3A_115] : memref<32768x256xf32, #tpu.memory_space<hbm>> -> memref<128x256xf32, #tpu.memory_space<hbm>>
    %dma_wait3A_117 = arith.constant 0 : i32
    %dma_wait3A_118 = tpu.memref_slice %arg4[%add3A_114, %dma_wait3A_117] : memref<32768x256xf32, #tpu.memory_space<hbm>> -> memref<128x256xf32, #tpu.memory_space<hbm>>
    tpu.wait_dma2 semaphore(%arg12 : memref<!tpu.dma_semaphore, #tpu.memory_space<semaphore_mem>>) src(%arg6 : memref<128x256xf32, #tpu.memory_space<vmem>>) dst(%dma_wait3A_118 : memref<128x256xf32, #tpu.memory_space<hbm>>)
    %dma_start3A_119 = arith.constant 6 : i32
    %dma_start3A_120 = arith.constant 0 : i32
    %dma_start3A_121 = tpu.memref_slice %arg5[%dma_start3A_119, %dma_start3A_120] : memref<8x128xi32, #tpu.memory_space<vmem>> -> memref<1x128xi32, #tpu.memory_space<vmem>>
    %dma_start3A_122 = tpu.memref_squeeze %dma_start3A_121 : memref<1x128xi32, #tpu.memory_space<vmem>> -> memref<128xi32, #tpu.memory_space<vmem>>
    %dma_start3A_123 = arith.constant 0 : i32
    %dma_start3A_124 = arith.constant 0 : i32
    %dma_start3A_125 = tpu.memref_slice %arg2[%dma_start3A_123, %dma_start3A_124] : memref<8192x256xf32, #tpu.memory_space<hbm>> -> memref<8192x256xf32, #tpu.memory_space<hbm>>
    tpu.enqueue_indirect_dma source(%dma_start3A_125 : memref<8192x256xf32, #tpu.memory_space<hbm>>) target(%arg6 : memref<128x256xf32, #tpu.memory_space<vmem>>) offsets(%dma_start3A_122 : memref<128xi32, #tpu.memory_space<vmem>>) semaphore(%arg9 : memref<!tpu.dma_semaphore, #tpu.memory_space<semaphore_mem>>)
    %dma_wait3A_126 = arith.constant 4 : i32
    %dma_wait3A_127 = arith.constant 0 : i32
    %dma_wait3A_128 = tpu.memref_slice %arg5[%dma_wait3A_126, %dma_wait3A_127] : memref<8x128xi32, #tpu.memory_space<vmem>> -> memref<1x128xi32, #tpu.memory_space<vmem>>
    %dma_wait3A_129 = tpu.memref_squeeze %dma_wait3A_128 : memref<1x128xi32, #tpu.memory_space<vmem>> -> memref<128xi32, #tpu.memory_space<vmem>>
    %dma_wait3A_130 = arith.constant 0 : i32
    %dma_wait3A_131 = arith.constant 0 : i32
    %dma_wait3A_132 = tpu.memref_slice %arg2[%dma_wait3A_130, %dma_wait3A_131] : memref<8192x256xf32, #tpu.memory_space<hbm>> -> memref<8192x256xf32, #tpu.memory_space<hbm>>
    tpu.wait_indirect_dma semaphore(%arg10 : memref<!tpu.dma_semaphore, #tpu.memory_space<semaphore_mem>>) src(%dma_wait3A_132 : memref<8192x256xf32, #tpu.memory_space<hbm>>) dst(%arg7 : memref<128x256xf32, #tpu.memory_space<vmem>>)
    %add3A_133 = arith.constant 512 : i32
    %add3A_134 = arith.addi %mul3A_2, %add3A_133 : i32
    %dma_start3A_135 = arith.constant 0 : i32
    %dma_start3A_136 = tpu.memref_slice %arg4[%add3A_134, %dma_start3A_135] : memref<32768x256xf32, #tpu.memory_space<hbm>> -> memref<128x256xf32, #tpu.memory_space<hbm>>
    %dma_start3A_137 = arith.constant 0 : i32
    %dma_start3A_138 = tpu.memref_slice %arg4[%add3A_134, %dma_start3A_137] : memref<32768x256xf32, #tpu.memory_space<hbm>> -> memref<128x256xf32, #tpu.memory_space<hbm>>
    tpu.enqueue_dma source(%arg7 : memref<128x256xf32, #tpu.memory_space<vmem>>) target(%dma_start3A_138 : memref<128x256xf32, #tpu.memory_space<hbm>>) target_semaphore(%arg13 : memref<!tpu.dma_semaphore, #tpu.memory_space<semaphore_mem>>)
    %add3A_139 = arith.constant 512 : i32
    %add3A_140 = arith.addi %mul3A_2, %add3A_139 : i32
    %dma_wait3A_141 = arith.constant 0 : i32
    %dma_wait3A_142 = tpu.memref_slice %arg4[%add3A_140, %dma_wait3A_141] : memref<32768x256xf32, #tpu.memory_space<hbm>> -> memref<128x256xf32, #tpu.memory_space<hbm>>
    %dma_wait3A_143 = arith.constant 0 : i32
    %dma_wait3A_144 = tpu.memref_slice %arg4[%add3A_140, %dma_wait3A_143] : memref<32768x256xf32, #tpu.memory_space<hbm>> -> memref<128x256xf32, #tpu.memory_space<hbm>>
    tpu.wait_dma2 semaphore(%arg13 : memref<!tpu.dma_semaphore, #tpu.memory_space<semaphore_mem>>) src(%arg7 : memref<128x256xf32, #tpu.memory_space<vmem>>) dst(%dma_wait3A_144 : memref<128x256xf32, #tpu.memory_space<hbm>>)
    %dma_start3A_145 = arith.constant 7 : i32
    %dma_start3A_146 = arith.constant 0 : i32
    %dma_start3A_147 = tpu.memref_slice %arg5[%dma_start3A_145, %dma_start3A_146] : memref<8x128xi32, #tpu.memory_space<vmem>> -> memref<1x128xi32, #tpu.memory_space<vmem>>
    %dma_start3A_148 = tpu.memref_squeeze %dma_start3A_147 : memref<1x128xi32, #tpu.memory_space<vmem>> -> memref<128xi32, #tpu.memory_space<vmem>>
    %dma_start3A_149 = arith.constant 0 : i32
    %dma_start3A_150 = arith.constant 0 : i32
    %dma_start3A_151 = tpu.memref_slice %arg2[%dma_start3A_149, %dma_start3A_150] : memref<8192x256xf32, #tpu.memory_space<hbm>> -> memref<8192x256xf32, #tpu.memory_space<hbm>>
    tpu.enqueue_indirect_dma source(%dma_start3A_151 : memref<8192x256xf32, #tpu.memory_space<hbm>>) target(%arg7 : memref<128x256xf32, #tpu.memory_space<vmem>>) offsets(%dma_start3A_148 : memref<128xi32, #tpu.memory_space<vmem>>) semaphore(%arg10 : memref<!tpu.dma_semaphore, #tpu.memory_space<semaphore_mem>>)
    %dma_wait3A_152 = arith.constant 5 : i32
    %dma_wait3A_153 = arith.constant 0 : i32
    %dma_wait3A_154 = tpu.memref_slice %arg5[%dma_wait3A_152, %dma_wait3A_153] : memref<8x128xi32, #tpu.memory_space<vmem>> -> memref<1x128xi32, #tpu.memory_space<vmem>>
    %dma_wait3A_155 = tpu.memref_squeeze %dma_wait3A_154 : memref<1x128xi32, #tpu.memory_space<vmem>> -> memref<128xi32, #tpu.memory_space<vmem>>
    %dma_wait3A_156 = arith.constant 0 : i32
    %dma_wait3A_157 = arith.constant 0 : i32
    %dma_wait3A_158 = tpu.memref_slice %arg2[%dma_wait3A_156, %dma_wait3A_157] : memref<8192x256xf32, #tpu.memory_space<hbm>> -> memref<8192x256xf32, #tpu.memory_space<hbm>>
    tpu.wait_indirect_dma semaphore(%arg11 : memref<!tpu.dma_semaphore, #tpu.memory_space<semaphore_mem>>) src(%dma_wait3A_158 : memref<8192x256xf32, #tpu.memory_space<hbm>>) dst(%arg8 : memref<128x256xf32, #tpu.memory_space<vmem>>)
    %add3A_159 = arith.constant 640 : i32
    %add3A_160 = arith.addi %mul3A_2, %add3A_159 : i32
    %dma_start3A_161 = arith.constant 0 : i32
    %dma_start3A_162 = tpu.memref_slice %arg4[%add3A_160, %dma_start3A_161] : memref<32768x256xf32, #tpu.memory_space<hbm>> -> memref<128x256xf32, #tpu.memory_space<hbm>>
    %dma_start3A_163 = arith.constant 0 : i32
    %dma_start3A_164 = tpu.memref_slice %arg4[%add3A_160, %dma_start3A_163] : memref<32768x256xf32, #tpu.memory_space<hbm>> -> memref<128x256xf32, #tpu.memory_space<hbm>>
    tpu.enqueue_dma source(%arg8 : memref<128x256xf32, #tpu.memory_space<vmem>>) target(%dma_start3A_164 : memref<128x256xf32, #tpu.memory_space<hbm>>) target_semaphore(%arg14 : memref<!tpu.dma_semaphore, #tpu.memory_space<semaphore_mem>>)
    %dma_wait3A_165 = arith.constant 6 : i32
    %dma_wait3A_166 = arith.constant 0 : i32
    %dma_wait3A_167 = tpu.memref_slice %arg5[%dma_wait3A_165, %dma_wait3A_166] : memref<8x128xi32, #tpu.memory_space<vmem>> -> memref<1x128xi32, #tpu.memory_space<vmem>>
    %dma_wait3A_168 = tpu.memref_squeeze %dma_wait3A_167 : memref<1x128xi32, #tpu.memory_space<vmem>> -> memref<128xi32, #tpu.memory_space<vmem>>
    %dma_wait3A_169 = arith.constant 0 : i32
    %dma_wait3A_170 = arith.constant 0 : i32
    %dma_wait3A_171 = tpu.memref_slice %arg2[%dma_wait3A_169, %dma_wait3A_170] : memref<8192x256xf32, #tpu.memory_space<hbm>> -> memref<8192x256xf32, #tpu.memory_space<hbm>>
    tpu.wait_indirect_dma semaphore(%arg9 : memref<!tpu.dma_semaphore, #tpu.memory_space<semaphore_mem>>) src(%dma_wait3A_171 : memref<8192x256xf32, #tpu.memory_space<hbm>>) dst(%arg6 : memref<128x256xf32, #tpu.memory_space<vmem>>)
    %add3A_172 = arith.constant 768 : i32
    %add3A_173 = arith.addi %mul3A_2, %add3A_172 : i32
    %dma_start3A_174 = arith.constant 0 : i32
    %dma_start3A_175 = tpu.memref_slice %arg4[%add3A_173, %dma_start3A_174] : memref<32768x256xf32, #tpu.memory_space<hbm>> -> memref<128x256xf32, #tpu.memory_space<hbm>>
    %dma_start3A_176 = arith.constant 0 : i32
    %dma_start3A_177 = tpu.memref_slice %arg4[%add3A_173, %dma_start3A_176] : memref<32768x256xf32, #tpu.memory_space<hbm>> -> memref<128x256xf32, #tpu.memory_space<hbm>>
    tpu.enqueue_dma source(%arg6 : memref<128x256xf32, #tpu.memory_space<vmem>>) target(%dma_start3A_177 : memref<128x256xf32, #tpu.memory_space<hbm>>) target_semaphore(%arg12 : memref<!tpu.dma_semaphore, #tpu.memory_space<semaphore_mem>>)
    %dma_wait3A_178 = arith.constant 7 : i32
    %dma_wait3A_179 = arith.constant 0 : i32
    %dma_wait3A_180 = tpu.memref_slice %arg5[%dma_wait3A_178, %dma_wait3A_179] : memref<8x128xi32, #tpu.memory_space<vmem>> -> memref<1x128xi32, #tpu.memory_space<vmem>>
    %dma_wait3A_181 = tpu.memref_squeeze %dma_wait3A_180 : memref<1x128xi32, #tpu.memory_space<vmem>> -> memref<128xi32, #tpu.memory_space<vmem>>
    %dma_wait3A_182 = arith.constant 0 : i32
    %dma_wait3A_183 = arith.constant 0 : i32
    %dma_wait3A_184 = tpu.memref_slice %arg2[%dma_wait3A_182, %dma_wait3A_183] : memref<8192x256xf32, #tpu.memory_space<hbm>> -> memref<8192x256xf32, #tpu.memory_space<hbm>>
    tpu.wait_indirect_dma semaphore(%arg10 : memref<!tpu.dma_semaphore, #tpu.memory_space<semaphore_mem>>) src(%dma_wait3A_184 : memref<8192x256xf32, #tpu.memory_space<hbm>>) dst(%arg7 : memref<128x256xf32, #tpu.memory_space<vmem>>)
    %add3A_185 = arith.constant 896 : i32
    %add3A_186 = arith.addi %mul3A_2, %add3A_185 : i32
    %dma_start3A_187 = arith.constant 0 : i32
    %dma_start3A_188 = tpu.memref_slice %arg4[%add3A_186, %dma_start3A_187] : memref<32768x256xf32, #tpu.memory_space<hbm>> -> memref<128x256xf32, #tpu.memory_space<hbm>>
    %dma_start3A_189 = arith.constant 0 : i32
    %dma_start3A_190 = tpu.memref_slice %arg4[%add3A_186, %dma_start3A_189] : memref<32768x256xf32, #tpu.memory_space<hbm>> -> memref<128x256xf32, #tpu.memory_space<hbm>>
    tpu.enqueue_dma source(%arg7 : memref<128x256xf32, #tpu.memory_space<vmem>>) target(%dma_start3A_190 : memref<128x256xf32, #tpu.memory_space<hbm>>) target_semaphore(%arg13 : memref<!tpu.dma_semaphore, #tpu.memory_space<semaphore_mem>>)
    %add3A_191 = arith.constant 640 : i32
    %add3A_192 = arith.addi %mul3A_2, %add3A_191 : i32
    %dma_wait3A_193 = arith.constant 0 : i32
    %dma_wait3A_194 = tpu.memref_slice %arg4[%add3A_192, %dma_wait3A_193] : memref<32768x256xf32, #tpu.memory_space<hbm>> -> memref<128x256xf32, #tpu.memory_space<hbm>>
    %dma_wait3A_195 = arith.constant 0 : i32
    %dma_wait3A_196 = tpu.memref_slice %arg4[%add3A_192, %dma_wait3A_195] : memref<32768x256xf32, #tpu.memory_space<hbm>> -> memref<128x256xf32, #tpu.memory_space<hbm>>
    tpu.wait_dma2 semaphore(%arg14 : memref<!tpu.dma_semaphore, #tpu.memory_space<semaphore_mem>>) src(%arg8 : memref<128x256xf32, #tpu.memory_space<vmem>>) dst(%dma_wait3A_196 : memref<128x256xf32, #tpu.memory_space<hbm>>)
    %add3A_197 = arith.constant 768 : i32
    %add3A_198 = arith.addi %mul3A_2, %add3A_197 : i32
    %dma_wait3A_199 = arith.constant 0 : i32
    %dma_wait3A_200 = tpu.memref_slice %arg4[%add3A_198, %dma_wait3A_199] : memref<32768x256xf32, #tpu.memory_space<hbm>> -> memref<128x256xf32, #tpu.memory_space<hbm>>
    %dma_wait3A_201 = arith.constant 0 : i32
    %dma_wait3A_202 = tpu.memref_slice %arg4[%add3A_198, %dma_wait3A_201] : memref<32768x256xf32, #tpu.memory_space<hbm>> -> memref<128x256xf32, #tpu.memory_space<hbm>>
    tpu.wait_dma2 semaphore(%arg12 : memref<!tpu.dma_semaphore, #tpu.memory_space<semaphore_mem>>) src(%arg6 : memref<128x256xf32, #tpu.memory_space<vmem>>) dst(%dma_wait3A_202 : memref<128x256xf32, #tpu.memory_space<hbm>>)
    %add3A_203 = arith.constant 896 : i32
    %add3A_204 = arith.addi %mul3A_2, %add3A_203 : i32
    %dma_wait3A_205 = arith.constant 0 : i32
    %dma_wait3A_206 = tpu.memref_slice %arg4[%add3A_204, %dma_wait3A_205] : memref<32768x256xf32, #tpu.memory_space<hbm>> -> memref<128x256xf32, #tpu.memory_space<hbm>>
    %dma_wait3A_207 = arith.constant 0 : i32
    %dma_wait3A_208 = tpu.memref_slice %arg4[%add3A_204, %dma_wait3A_207] : memref<32768x256xf32, #tpu.memory_space<hbm>> -> memref<128x256xf32, #tpu.memory_space<hbm>>
    tpu.wait_dma2 semaphore(%arg13 : memref<!tpu.dma_semaphore, #tpu.memory_space<semaphore_mem>>) src(%arg7 : memref<128x256xf32, #tpu.memory_space<vmem>>) dst(%dma_wait3A_208 : memref<128x256xf32, #tpu.memory_space<hbm>>)
    return
  }
}

module attributes {stable_mosaic.version = 14 : i64} {
  func.func @_argmin_tile(%arg0: i32, %arg1: memref<256x256xf32, #tpu.memory_space<vmem>>, %arg2: memref<256x8192xf32, #tpu.memory_space<vmem>>, %arg3: memref<1x8192xf32, #tpu.memory_space<vmem>>, %arg4: memref<256x1xi32, #tpu.memory_space<vmem>>, %arg5: memref<1x1x1xf32, #tpu.memory_space<vmem>>) attributes {dimension_semantics = [#tpu.dimension_semantics<arbitrary>], iteration_bounds = array<i64: 128>, scalar_prefetch = 0 : i64, scratch_operands = 0 : i64, tpu.core_type = #tpu.core_type<tc>, window_params = [{transform_indices = @transform_0, window_bounds = array<i64: 256, 256>}, {pipeline_mode = #tpu.pipeline_mode<synchronous>, transform_indices = @transform_1, window_bounds = array<i64: 256, 8192>}, {pipeline_mode = #tpu.pipeline_mode<synchronous>, transform_indices = @transform_2, window_bounds = array<i64: 1, 8192>}, {transform_indices = @transform_3, window_bounds = array<i64: 256, 1>}, {transform_indices = @transform_4, window_bounds = array<i64: 1, 1, 1>}]} {
    %get3A = arith.constant 0 : index
    %get3A_0 = arith.constant 0 : index
    %get3A_1 = vector.load %arg1[%get3A, %get3A_0] : memref<256x256xf32, #tpu.memory_space<vmem>>, vector<256x256xf32>
    %mul3A = arith.mulf %get3A_1, %get3A_1 : vector<256x256xf32>
    %reduce_sum3A = arith.constant dense<0.000000e+00> : vector<256xf32>
    %reduce_sum3A_2 = vector.multi_reduction <add>, %mul3A, %reduce_sum3A [1] : vector<256x256xf32> to vector<256xf32>
    %broadcast_in_dim3A = vector.shape_cast %reduce_sum3A_2 : vector<256xf32> to vector<256x1xf32>
    %iota3A = tpu.iota {dimensions = array<i32: 1>} : vector<256x256xi32>
    %convert_element_type3A = arith.sitofp %iota3A : vector<256x256xi32> to vector<256x256xf32>
    %add3A = arith.constant 0.000000e+00 : f32
    %add3A_3 = vector.broadcast %add3A : f32 to vector<256x256xf32>
    %add3A_4 = arith.addf %convert_element_type3A, %add3A_3 : vector<256x256xf32>
    %add3A_5 = arith.constant 2.560000e+02 : f32
    %add3A_6 = vector.broadcast %add3A_5 : f32 to vector<256x256xf32>
    %add3A_7 = arith.addf %convert_element_type3A, %add3A_6 : vector<256x256xf32>
    %add3A_8 = arith.constant 5.120000e+02 : f32
    %add3A_9 = vector.broadcast %add3A_8 : f32 to vector<256x256xf32>
    %add3A_10 = arith.addf %convert_element_type3A, %add3A_9 : vector<256x256xf32>
    %add3A_11 = arith.constant 7.680000e+02 : f32
    %add3A_12 = vector.broadcast %add3A_11 : f32 to vector<256x256xf32>
    %add3A_13 = arith.addf %convert_element_type3A, %add3A_12 : vector<256x256xf32>
    %get3A_14 = arith.constant 0 : index
    %get3A_15 = arith.constant 0 : index
    %get3A_16 = vector.load %arg2[%get3A_14, %get3A_15] : memref<256x8192xf32, #tpu.memory_space<vmem>>, vector<256x1024xf32>
    %get3A_17 = arith.constant 0 : index
    %get3A_18 = arith.constant 0 : index
    %get3A_19 = vector.load %arg3[%get3A_17, %get3A_18] : memref<1x8192xf32, #tpu.memory_space<vmem>>, vector<1x1024xf32>
    %dot_general3A = arith.constant dense<0.000000e+00> : vector<256x1024xf32>
    %dot_general3A_20 = tpu.matmul %get3A_1, %get3A_16, %dot_general3A {dimension_numbers = #tpu.dot_dimension_numbers<[1], [0], [0], [1], [0, 0, 1, 1], [], []>, transpose_lhs_hint = false} : vector<256x256xf32>, vector<256x1024xf32>, vector<256x1024xf32> -> vector<256x1024xf32>
    %add3A_21 = vector.broadcast %get3A_19 : vector<1x1024xf32> to vector<256x1024xf32>
    %add3A_22 = arith.addf %dot_general3A_20, %add3A_21 : vector<256x1024xf32>
    %reduce_min3A = arith.constant dense<0x7F800000> : vector<256xf32>
    %reduce_min3A_23 = vector.multi_reduction <minimumf>, %add3A_22, %reduce_min3A [1] : vector<256x1024xf32> to vector<256xf32>
    %broadcast_in_dim3A_24 = vector.shape_cast %reduce_min3A_23 : vector<256xf32> to vector<256x1xf32>
    %broadcast_in_dim3A_25 = arith.constant 8.192000e+03 : f32
    %broadcast_in_dim3A_26 = vector.broadcast %broadcast_in_dim3A_25 : f32 to vector<256x256xf32>
    %slice3A = vector.extract_strided_slice %add3A_22 {offsets = [0, 768], sizes = [256, 256], strides = [1, 1]} : vector<256x1024xf32> to vector<256x256xf32>
    %eq3A = vector.broadcast %broadcast_in_dim3A_24 : vector<256x1xf32> to vector<256x256xf32>
    %eq3A_27 = arith.cmpf oeq, %slice3A, %eq3A : vector<256x256xf32>
    %select_n3A = arith.select %eq3A_27, %add3A_13, %broadcast_in_dim3A_26 : vector<256x256xi1>, vector<256x256xf32>
    %slice3A_28 = vector.extract_strided_slice %add3A_22 {offsets = [0, 512], sizes = [256, 256], strides = [1, 1]} : vector<256x1024xf32> to vector<256x256xf32>
    %eq3A_29 = vector.broadcast %broadcast_in_dim3A_24 : vector<256x1xf32> to vector<256x256xf32>
    %eq3A_30 = arith.cmpf oeq, %slice3A_28, %eq3A_29 : vector<256x256xf32>
    %select_n3A_31 = arith.select %eq3A_30, %add3A_10, %select_n3A : vector<256x256xi1>, vector<256x256xf32>
    %slice3A_32 = vector.extract_strided_slice %add3A_22 {offsets = [0, 256], sizes = [256, 256], strides = [1, 1]} : vector<256x1024xf32> to vector<256x256xf32>
    %eq3A_33 = vector.broadcast %broadcast_in_dim3A_24 : vector<256x1xf32> to vector<256x256xf32>
    %eq3A_34 = arith.cmpf oeq, %slice3A_32, %eq3A_33 : vector<256x256xf32>
    %select_n3A_35 = arith.select %eq3A_34, %add3A_7, %select_n3A_31 : vector<256x256xi1>, vector<256x256xf32>
    %slice3A_36 = vector.extract_strided_slice %add3A_22 {offsets = [0, 0], sizes = [256, 256], strides = [1, 1]} : vector<256x1024xf32> to vector<256x256xf32>
    %eq3A_37 = vector.broadcast %broadcast_in_dim3A_24 : vector<256x1xf32> to vector<256x256xf32>
    %eq3A_38 = arith.cmpf oeq, %slice3A_36, %eq3A_37 : vector<256x256xf32>
    %select_n3A_39 = arith.select %eq3A_38, %add3A_4, %select_n3A_35 : vector<256x256xi1>, vector<256x256xf32>
    %reduce_min3A_40 = arith.constant dense<0x7F800000> : vector<256xf32>
    %reduce_min3A_41 = vector.multi_reduction <minimumf>, %select_n3A_39, %reduce_min3A_40 [1] : vector<256x256xf32> to vector<256xf32>
    %broadcast_in_dim3A_42 = vector.shape_cast %reduce_min3A_41 : vector<256xf32> to vector<256x1xf32>
    %add3A_43 = arith.constant 0.000000e+00 : f32
    %add3A_44 = vector.broadcast %add3A_43 : f32 to vector<256x1xf32>
    %add3A_45 = arith.addf %broadcast_in_dim3A_42, %add3A_44 : vector<256x1xf32>
    %get3A_46 = arith.constant 0 : index
    %get3A_47 = arith.constant 1024 : index
    %get3A_48 = vector.load %arg2[%get3A_46, %get3A_47] : memref<256x8192xf32, #tpu.memory_space<vmem>>, vector<256x1024xf32>
    %get3A_49 = arith.constant 0 : index
    %get3A_50 = arith.constant 1024 : index
    %get3A_51 = vector.load %arg3[%get3A_49, %get3A_50] : memref<1x8192xf32, #tpu.memory_space<vmem>>, vector<1x1024xf32>
    %dot_general3A_52 = arith.constant dense<0.000000e+00> : vector<256x1024xf32>
    %dot_general3A_53 = tpu.matmul %get3A_1, %get3A_48, %dot_general3A_52 {dimension_numbers = #tpu.dot_dimension_numbers<[1], [0], [0], [1], [0, 0, 1, 1], [], []>, transpose_lhs_hint = false} : vector<256x256xf32>, vector<256x1024xf32>, vector<256x1024xf32> -> vector<256x1024xf32>
    %add3A_54 = vector.broadcast %get3A_51 : vector<1x1024xf32> to vector<256x1024xf32>
    %add3A_55 = arith.addf %dot_general3A_53, %add3A_54 : vector<256x1024xf32>
    %reduce_min3A_56 = arith.constant dense<0x7F800000> : vector<256xf32>
    %reduce_min3A_57 = vector.multi_reduction <minimumf>, %add3A_55, %reduce_min3A_56 [1] : vector<256x1024xf32> to vector<256xf32>
    %broadcast_in_dim3A_58 = vector.shape_cast %reduce_min3A_57 : vector<256xf32> to vector<256x1xf32>
    %broadcast_in_dim3A_59 = arith.constant 8.192000e+03 : f32
    %broadcast_in_dim3A_60 = vector.broadcast %broadcast_in_dim3A_59 : f32 to vector<256x256xf32>
    %slice3A_61 = vector.extract_strided_slice %add3A_55 {offsets = [0, 768], sizes = [256, 256], strides = [1, 1]} : vector<256x1024xf32> to vector<256x256xf32>
    %eq3A_62 = vector.broadcast %broadcast_in_dim3A_58 : vector<256x1xf32> to vector<256x256xf32>
    %eq3A_63 = arith.cmpf oeq, %slice3A_61, %eq3A_62 : vector<256x256xf32>
    %select_n3A_64 = arith.select %eq3A_63, %add3A_13, %broadcast_in_dim3A_60 : vector<256x256xi1>, vector<256x256xf32>
    %slice3A_65 = vector.extract_strided_slice %add3A_55 {offsets = [0, 512], sizes = [256, 256], strides = [1, 1]} : vector<256x1024xf32> to vector<256x256xf32>
    %eq3A_66 = vector.broadcast %broadcast_in_dim3A_58 : vector<256x1xf32> to vector<256x256xf32>
    %eq3A_67 = arith.cmpf oeq, %slice3A_65, %eq3A_66 : vector<256x256xf32>
    %select_n3A_68 = arith.select %eq3A_67, %add3A_10, %select_n3A_64 : vector<256x256xi1>, vector<256x256xf32>
    %slice3A_69 = vector.extract_strided_slice %add3A_55 {offsets = [0, 256], sizes = [256, 256], strides = [1, 1]} : vector<256x1024xf32> to vector<256x256xf32>
    %eq3A_70 = vector.broadcast %broadcast_in_dim3A_58 : vector<256x1xf32> to vector<256x256xf32>
    %eq3A_71 = arith.cmpf oeq, %slice3A_69, %eq3A_70 : vector<256x256xf32>
    %select_n3A_72 = arith.select %eq3A_71, %add3A_7, %select_n3A_68 : vector<256x256xi1>, vector<256x256xf32>
    %slice3A_73 = vector.extract_strided_slice %add3A_55 {offsets = [0, 0], sizes = [256, 256], strides = [1, 1]} : vector<256x1024xf32> to vector<256x256xf32>
    %eq3A_74 = vector.broadcast %broadcast_in_dim3A_58 : vector<256x1xf32> to vector<256x256xf32>
    %eq3A_75 = arith.cmpf oeq, %slice3A_73, %eq3A_74 : vector<256x256xf32>
    %select_n3A_76 = arith.select %eq3A_75, %add3A_4, %select_n3A_72 : vector<256x256xi1>, vector<256x256xf32>
    %reduce_min3A_77 = arith.constant dense<0x7F800000> : vector<256xf32>
    %reduce_min3A_78 = vector.multi_reduction <minimumf>, %select_n3A_76, %reduce_min3A_77 [1] : vector<256x256xf32> to vector<256xf32>
    %broadcast_in_dim3A_79 = vector.shape_cast %reduce_min3A_78 : vector<256xf32> to vector<256x1xf32>
    %add3A_80 = arith.constant 1.024000e+03 : f32
    %add3A_81 = vector.broadcast %add3A_80 : f32 to vector<256x1xf32>
    %add3A_82 = arith.addf %broadcast_in_dim3A_79, %add3A_81 : vector<256x1xf32>
    %lt3A = arith.cmpf olt, %broadcast_in_dim3A_58, %broadcast_in_dim3A_24 : vector<256x1xf32>
    %select_n3A_83 = arith.select %lt3A, %add3A_82, %add3A_45 : vector<256x1xi1>, vector<256x1xf32>
    %select_n3A_84 = arith.select %lt3A, %broadcast_in_dim3A_58, %broadcast_in_dim3A_24 : vector<256x1xi1>, vector<256x1xf32>
    %get3A_85 = arith.constant 0 : index
    %get3A_86 = arith.constant 2048 : index
    %get3A_87 = vector.load %arg2[%get3A_85, %get3A_86] : memref<256x8192xf32, #tpu.memory_space<vmem>>, vector<256x1024xf32>
    %get3A_88 = arith.constant 0 : index
    %get3A_89 = arith.constant 2048 : index
    %get3A_90 = vector.load %arg3[%get3A_88, %get3A_89] : memref<1x8192xf32, #tpu.memory_space<vmem>>, vector<1x1024xf32>
    %dot_general3A_91 = arith.constant dense<0.000000e+00> : vector<256x1024xf32>
    %dot_general3A_92 = tpu.matmul %get3A_1, %get3A_87, %dot_general3A_91 {dimension_numbers = #tpu.dot_dimension_numbers<[1], [0], [0], [1], [0, 0, 1, 1], [], []>, transpose_lhs_hint = false} : vector<256x256xf32>, vector<256x1024xf32>, vector<256x1024xf32> -> vector<256x1024xf32>
    %add3A_93 = vector.broadcast %get3A_90 : vector<1x1024xf32> to vector<256x1024xf32>
    %add3A_94 = arith.addf %dot_general3A_92, %add3A_93 : vector<256x1024xf32>
    %reduce_min3A_95 = arith.constant dense<0x7F800000> : vector<256xf32>
    %reduce_min3A_96 = vector.multi_reduction <minimumf>, %add3A_94, %reduce_min3A_95 [1] : vector<256x1024xf32> to vector<256xf32>
    %broadcast_in_dim3A_97 = vector.shape_cast %reduce_min3A_96 : vector<256xf32> to vector<256x1xf32>
    %broadcast_in_dim3A_98 = arith.constant 8.192000e+03 : f32
    %broadcast_in_dim3A_99 = vector.broadcast %broadcast_in_dim3A_98 : f32 to vector<256x256xf32>
    %slice3A_100 = vector.extract_strided_slice %add3A_94 {offsets = [0, 768], sizes = [256, 256], strides = [1, 1]} : vector<256x1024xf32> to vector<256x256xf32>
    %eq3A_101 = vector.broadcast %broadcast_in_dim3A_97 : vector<256x1xf32> to vector<256x256xf32>
    %eq3A_102 = arith.cmpf oeq, %slice3A_100, %eq3A_101 : vector<256x256xf32>
    %select_n3A_103 = arith.select %eq3A_102, %add3A_13, %broadcast_in_dim3A_99 : vector<256x256xi1>, vector<256x256xf32>
    %slice3A_104 = vector.extract_strided_slice %add3A_94 {offsets = [0, 512], sizes = [256, 256], strides = [1, 1]} : vector<256x1024xf32> to vector<256x256xf32>
    %eq3A_105 = vector.broadcast %broadcast_in_dim3A_97 : vector<256x1xf32> to vector<256x256xf32>
    %eq3A_106 = arith.cmpf oeq, %slice3A_104, %eq3A_105 : vector<256x256xf32>
    %select_n3A_107 = arith.select %eq3A_106, %add3A_10, %select_n3A_103 : vector<256x256xi1>, vector<256x256xf32>
    %slice3A_108 = vector.extract_strided_slice %add3A_94 {offsets = [0, 256], sizes = [256, 256], strides = [1, 1]} : vector<256x1024xf32> to vector<256x256xf32>
    %eq3A_109 = vector.broadcast %broadcast_in_dim3A_97 : vector<256x1xf32> to vector<256x256xf32>
    %eq3A_110 = arith.cmpf oeq, %slice3A_108, %eq3A_109 : vector<256x256xf32>
    %select_n3A_111 = arith.select %eq3A_110, %add3A_7, %select_n3A_107 : vector<256x256xi1>, vector<256x256xf32>
    %slice3A_112 = vector.extract_strided_slice %add3A_94 {offsets = [0, 0], sizes = [256, 256], strides = [1, 1]} : vector<256x1024xf32> to vector<256x256xf32>
    %eq3A_113 = vector.broadcast %broadcast_in_dim3A_97 : vector<256x1xf32> to vector<256x256xf32>
    %eq3A_114 = arith.cmpf oeq, %slice3A_112, %eq3A_113 : vector<256x256xf32>
    %select_n3A_115 = arith.select %eq3A_114, %add3A_4, %select_n3A_111 : vector<256x256xi1>, vector<256x256xf32>
    %reduce_min3A_116 = arith.constant dense<0x7F800000> : vector<256xf32>
    %reduce_min3A_117 = vector.multi_reduction <minimumf>, %select_n3A_115, %reduce_min3A_116 [1] : vector<256x256xf32> to vector<256xf32>
    %broadcast_in_dim3A_118 = vector.shape_cast %reduce_min3A_117 : vector<256xf32> to vector<256x1xf32>
    %add3A_119 = arith.constant 2.048000e+03 : f32
    %add3A_120 = vector.broadcast %add3A_119 : f32 to vector<256x1xf32>
    %add3A_121 = arith.addf %broadcast_in_dim3A_118, %add3A_120 : vector<256x1xf32>
    %lt3A_122 = arith.cmpf olt, %broadcast_in_dim3A_97, %select_n3A_84 : vector<256x1xf32>
    %select_n3A_123 = arith.select %lt3A_122, %add3A_121, %select_n3A_83 : vector<256x1xi1>, vector<256x1xf32>
    %select_n3A_124 = arith.select %lt3A_122, %broadcast_in_dim3A_97, %select_n3A_84 : vector<256x1xi1>, vector<256x1xf32>
    %get3A_125 = arith.constant 0 : index
    %get3A_126 = arith.constant 3072 : index
    %get3A_127 = vector.load %arg2[%get3A_125, %get3A_126] : memref<256x8192xf32, #tpu.memory_space<vmem>>, vector<256x1024xf32>
    %get3A_128 = arith.constant 0 : index
    %get3A_129 = arith.constant 3072 : index
    %get3A_130 = vector.load %arg3[%get3A_128, %get3A_129] : memref<1x8192xf32, #tpu.memory_space<vmem>>, vector<1x1024xf32>
    %dot_general3A_131 = arith.constant dense<0.000000e+00> : vector<256x1024xf32>
    %dot_general3A_132 = tpu.matmul %get3A_1, %get3A_127, %dot_general3A_131 {dimension_numbers = #tpu.dot_dimension_numbers<[1], [0], [0], [1], [0, 0, 1, 1], [], []>, transpose_lhs_hint = false} : vector<256x256xf32>, vector<256x1024xf32>, vector<256x1024xf32> -> vector<256x1024xf32>
    %add3A_133 = vector.broadcast %get3A_130 : vector<1x1024xf32> to vector<256x1024xf32>
    %add3A_134 = arith.addf %dot_general3A_132, %add3A_133 : vector<256x1024xf32>
    %reduce_min3A_135 = arith.constant dense<0x7F800000> : vector<256xf32>
    %reduce_min3A_136 = vector.multi_reduction <minimumf>, %add3A_134, %reduce_min3A_135 [1] : vector<256x1024xf32> to vector<256xf32>
    %broadcast_in_dim3A_137 = vector.shape_cast %reduce_min3A_136 : vector<256xf32> to vector<256x1xf32>
    %broadcast_in_dim3A_138 = arith.constant 8.192000e+03 : f32
    %broadcast_in_dim3A_139 = vector.broadcast %broadcast_in_dim3A_138 : f32 to vector<256x256xf32>
    %slice3A_140 = vector.extract_strided_slice %add3A_134 {offsets = [0, 768], sizes = [256, 256], strides = [1, 1]} : vector<256x1024xf32> to vector<256x256xf32>
    %eq3A_141 = vector.broadcast %broadcast_in_dim3A_137 : vector<256x1xf32> to vector<256x256xf32>
    %eq3A_142 = arith.cmpf oeq, %slice3A_140, %eq3A_141 : vector<256x256xf32>
    %select_n3A_143 = arith.select %eq3A_142, %add3A_13, %broadcast_in_dim3A_139 : vector<256x256xi1>, vector<256x256xf32>
    %slice3A_144 = vector.extract_strided_slice %add3A_134 {offsets = [0, 512], sizes = [256, 256], strides = [1, 1]} : vector<256x1024xf32> to vector<256x256xf32>
    %eq3A_145 = vector.broadcast %broadcast_in_dim3A_137 : vector<256x1xf32> to vector<256x256xf32>
    %eq3A_146 = arith.cmpf oeq, %slice3A_144, %eq3A_145 : vector<256x256xf32>
    %select_n3A_147 = arith.select %eq3A_146, %add3A_10, %select_n3A_143 : vector<256x256xi1>, vector<256x256xf32>
    %slice3A_148 = vector.extract_strided_slice %add3A_134 {offsets = [0, 256], sizes = [256, 256], strides = [1, 1]} : vector<256x1024xf32> to vector<256x256xf32>
    %eq3A_149 = vector.broadcast %broadcast_in_dim3A_137 : vector<256x1xf32> to vector<256x256xf32>
    %eq3A_150 = arith.cmpf oeq, %slice3A_148, %eq3A_149 : vector<256x256xf32>
    %select_n3A_151 = arith.select %eq3A_150, %add3A_7, %select_n3A_147 : vector<256x256xi1>, vector<256x256xf32>
    %slice3A_152 = vector.extract_strided_slice %add3A_134 {offsets = [0, 0], sizes = [256, 256], strides = [1, 1]} : vector<256x1024xf32> to vector<256x256xf32>
    %eq3A_153 = vector.broadcast %broadcast_in_dim3A_137 : vector<256x1xf32> to vector<256x256xf32>
    %eq3A_154 = arith.cmpf oeq, %slice3A_152, %eq3A_153 : vector<256x256xf32>
    %select_n3A_155 = arith.select %eq3A_154, %add3A_4, %select_n3A_151 : vector<256x256xi1>, vector<256x256xf32>
    %reduce_min3A_156 = arith.constant dense<0x7F800000> : vector<256xf32>
    %reduce_min3A_157 = vector.multi_reduction <minimumf>, %select_n3A_155, %reduce_min3A_156 [1] : vector<256x256xf32> to vector<256xf32>
    %broadcast_in_dim3A_158 = vector.shape_cast %reduce_min3A_157 : vector<256xf32> to vector<256x1xf32>
    %add3A_159 = arith.constant 3.072000e+03 : f32
    %add3A_160 = vector.broadcast %add3A_159 : f32 to vector<256x1xf32>
    %add3A_161 = arith.addf %broadcast_in_dim3A_158, %add3A_160 : vector<256x1xf32>
    %lt3A_162 = arith.cmpf olt, %broadcast_in_dim3A_137, %select_n3A_124 : vector<256x1xf32>
    %select_n3A_163 = arith.select %lt3A_162, %add3A_161, %select_n3A_123 : vector<256x1xi1>, vector<256x1xf32>
    %select_n3A_164 = arith.select %lt3A_162, %broadcast_in_dim3A_137, %select_n3A_124 : vector<256x1xi1>, vector<256x1xf32>
    %get3A_165 = arith.constant 0 : index
    %get3A_166 = arith.constant 4096 : index
    %get3A_167 = vector.load %arg2[%get3A_165, %get3A_166] : memref<256x8192xf32, #tpu.memory_space<vmem>>, vector<256x1024xf32>
    %get3A_168 = arith.constant 0 : index
    %get3A_169 = arith.constant 4096 : index
    %get3A_170 = vector.load %arg3[%get3A_168, %get3A_169] : memref<1x8192xf32, #tpu.memory_space<vmem>>, vector<1x1024xf32>
    %dot_general3A_171 = arith.constant dense<0.000000e+00> : vector<256x1024xf32>
    %dot_general3A_172 = tpu.matmul %get3A_1, %get3A_167, %dot_general3A_171 {dimension_numbers = #tpu.dot_dimension_numbers<[1], [0], [0], [1], [0, 0, 1, 1], [], []>, transpose_lhs_hint = false} : vector<256x256xf32>, vector<256x1024xf32>, vector<256x1024xf32> -> vector<256x1024xf32>
    %add3A_173 = vector.broadcast %get3A_170 : vector<1x1024xf32> to vector<256x1024xf32>
    %add3A_174 = arith.addf %dot_general3A_172, %add3A_173 : vector<256x1024xf32>
    %reduce_min3A_175 = arith.constant dense<0x7F800000> : vector<256xf32>
    %reduce_min3A_176 = vector.multi_reduction <minimumf>, %add3A_174, %reduce_min3A_175 [1] : vector<256x1024xf32> to vector<256xf32>
    %broadcast_in_dim3A_177 = vector.shape_cast %reduce_min3A_176 : vector<256xf32> to vector<256x1xf32>
    %broadcast_in_dim3A_178 = arith.constant 8.192000e+03 : f32
    %broadcast_in_dim3A_179 = vector.broadcast %broadcast_in_dim3A_178 : f32 to vector<256x256xf32>
    %slice3A_180 = vector.extract_strided_slice %add3A_174 {offsets = [0, 768], sizes = [256, 256], strides = [1, 1]} : vector<256x1024xf32> to vector<256x256xf32>
    %eq3A_181 = vector.broadcast %broadcast_in_dim3A_177 : vector<256x1xf32> to vector<256x256xf32>
    %eq3A_182 = arith.cmpf oeq, %slice3A_180, %eq3A_181 : vector<256x256xf32>
    %select_n3A_183 = arith.select %eq3A_182, %add3A_13, %broadcast_in_dim3A_179 : vector<256x256xi1>, vector<256x256xf32>
    %slice3A_184 = vector.extract_strided_slice %add3A_174 {offsets = [0, 512], sizes = [256, 256], strides = [1, 1]} : vector<256x1024xf32> to vector<256x256xf32>
    %eq3A_185 = vector.broadcast %broadcast_in_dim3A_177 : vector<256x1xf32> to vector<256x256xf32>
    %eq3A_186 = arith.cmpf oeq, %slice3A_184, %eq3A_185 : vector<256x256xf32>
    %select_n3A_187 = arith.select %eq3A_186, %add3A_10, %select_n3A_183 : vector<256x256xi1>, vector<256x256xf32>
    %slice3A_188 = vector.extract_strided_slice %add3A_174 {offsets = [0, 256], sizes = [256, 256], strides = [1, 1]} : vector<256x1024xf32> to vector<256x256xf32>
    %eq3A_189 = vector.broadcast %broadcast_in_dim3A_177 : vector<256x1xf32> to vector<256x256xf32>
    %eq3A_190 = arith.cmpf oeq, %slice3A_188, %eq3A_189 : vector<256x256xf32>
    %select_n3A_191 = arith.select %eq3A_190, %add3A_7, %select_n3A_187 : vector<256x256xi1>, vector<256x256xf32>
    %slice3A_192 = vector.extract_strided_slice %add3A_174 {offsets = [0, 0], sizes = [256, 256], strides = [1, 1]} : vector<256x1024xf32> to vector<256x256xf32>
    %eq3A_193 = vector.broadcast %broadcast_in_dim3A_177 : vector<256x1xf32> to vector<256x256xf32>
    %eq3A_194 = arith.cmpf oeq, %slice3A_192, %eq3A_193 : vector<256x256xf32>
    %select_n3A_195 = arith.select %eq3A_194, %add3A_4, %select_n3A_191 : vector<256x256xi1>, vector<256x256xf32>
    %reduce_min3A_196 = arith.constant dense<0x7F800000> : vector<256xf32>
    %reduce_min3A_197 = vector.multi_reduction <minimumf>, %select_n3A_195, %reduce_min3A_196 [1] : vector<256x256xf32> to vector<256xf32>
    %broadcast_in_dim3A_198 = vector.shape_cast %reduce_min3A_197 : vector<256xf32> to vector<256x1xf32>
    %add3A_199 = arith.constant 4.096000e+03 : f32
    %add3A_200 = vector.broadcast %add3A_199 : f32 to vector<256x1xf32>
    %add3A_201 = arith.addf %broadcast_in_dim3A_198, %add3A_200 : vector<256x1xf32>
    %lt3A_202 = arith.cmpf olt, %broadcast_in_dim3A_177, %select_n3A_164 : vector<256x1xf32>
    %select_n3A_203 = arith.select %lt3A_202, %add3A_201, %select_n3A_163 : vector<256x1xi1>, vector<256x1xf32>
    %select_n3A_204 = arith.select %lt3A_202, %broadcast_in_dim3A_177, %select_n3A_164 : vector<256x1xi1>, vector<256x1xf32>
    %get3A_205 = arith.constant 0 : index
    %get3A_206 = arith.constant 5120 : index
    %get3A_207 = vector.load %arg2[%get3A_205, %get3A_206] : memref<256x8192xf32, #tpu.memory_space<vmem>>, vector<256x1024xf32>
    %get3A_208 = arith.constant 0 : index
    %get3A_209 = arith.constant 5120 : index
    %get3A_210 = vector.load %arg3[%get3A_208, %get3A_209] : memref<1x8192xf32, #tpu.memory_space<vmem>>, vector<1x1024xf32>
    %dot_general3A_211 = arith.constant dense<0.000000e+00> : vector<256x1024xf32>
    %dot_general3A_212 = tpu.matmul %get3A_1, %get3A_207, %dot_general3A_211 {dimension_numbers = #tpu.dot_dimension_numbers<[1], [0], [0], [1], [0, 0, 1, 1], [], []>, transpose_lhs_hint = false} : vector<256x256xf32>, vector<256x1024xf32>, vector<256x1024xf32> -> vector<256x1024xf32>
    %add3A_213 = vector.broadcast %get3A_210 : vector<1x1024xf32> to vector<256x1024xf32>
    %add3A_214 = arith.addf %dot_general3A_212, %add3A_213 : vector<256x1024xf32>
    %reduce_min3A_215 = arith.constant dense<0x7F800000> : vector<256xf32>
    %reduce_min3A_216 = vector.multi_reduction <minimumf>, %add3A_214, %reduce_min3A_215 [1] : vector<256x1024xf32> to vector<256xf32>
    %broadcast_in_dim3A_217 = vector.shape_cast %reduce_min3A_216 : vector<256xf32> to vector<256x1xf32>
    %broadcast_in_dim3A_218 = arith.constant 8.192000e+03 : f32
    %broadcast_in_dim3A_219 = vector.broadcast %broadcast_in_dim3A_218 : f32 to vector<256x256xf32>
    %slice3A_220 = vector.extract_strided_slice %add3A_214 {offsets = [0, 768], sizes = [256, 256], strides = [1, 1]} : vector<256x1024xf32> to vector<256x256xf32>
    %eq3A_221 = vector.broadcast %broadcast_in_dim3A_217 : vector<256x1xf32> to vector<256x256xf32>
    %eq3A_222 = arith.cmpf oeq, %slice3A_220, %eq3A_221 : vector<256x256xf32>
    %select_n3A_223 = arith.select %eq3A_222, %add3A_13, %broadcast_in_dim3A_219 : vector<256x256xi1>, vector<256x256xf32>
    %slice3A_224 = vector.extract_strided_slice %add3A_214 {offsets = [0, 512], sizes = [256, 256], strides = [1, 1]} : vector<256x1024xf32> to vector<256x256xf32>
    %eq3A_225 = vector.broadcast %broadcast_in_dim3A_217 : vector<256x1xf32> to vector<256x256xf32>
    %eq3A_226 = arith.cmpf oeq, %slice3A_224, %eq3A_225 : vector<256x256xf32>
    %select_n3A_227 = arith.select %eq3A_226, %add3A_10, %select_n3A_223 : vector<256x256xi1>, vector<256x256xf32>
    %slice3A_228 = vector.extract_strided_slice %add3A_214 {offsets = [0, 256], sizes = [256, 256], strides = [1, 1]} : vector<256x1024xf32> to vector<256x256xf32>
    %eq3A_229 = vector.broadcast %broadcast_in_dim3A_217 : vector<256x1xf32> to vector<256x256xf32>
    %eq3A_230 = arith.cmpf oeq, %slice3A_228, %eq3A_229 : vector<256x256xf32>
    %select_n3A_231 = arith.select %eq3A_230, %add3A_7, %select_n3A_227 : vector<256x256xi1>, vector<256x256xf32>
    %slice3A_232 = vector.extract_strided_slice %add3A_214 {offsets = [0, 0], sizes = [256, 256], strides = [1, 1]} : vector<256x1024xf32> to vector<256x256xf32>
    %eq3A_233 = vector.broadcast %broadcast_in_dim3A_217 : vector<256x1xf32> to vector<256x256xf32>
    %eq3A_234 = arith.cmpf oeq, %slice3A_232, %eq3A_233 : vector<256x256xf32>
    %select_n3A_235 = arith.select %eq3A_234, %add3A_4, %select_n3A_231 : vector<256x256xi1>, vector<256x256xf32>
    %reduce_min3A_236 = arith.constant dense<0x7F800000> : vector<256xf32>
    %reduce_min3A_237 = vector.multi_reduction <minimumf>, %select_n3A_235, %reduce_min3A_236 [1] : vector<256x256xf32> to vector<256xf32>
    %broadcast_in_dim3A_238 = vector.shape_cast %reduce_min3A_237 : vector<256xf32> to vector<256x1xf32>
    %add3A_239 = arith.constant 5.120000e+03 : f32
    %add3A_240 = vector.broadcast %add3A_239 : f32 to vector<256x1xf32>
    %add3A_241 = arith.addf %broadcast_in_dim3A_238, %add3A_240 : vector<256x1xf32>
    %lt3A_242 = arith.cmpf olt, %broadcast_in_dim3A_217, %select_n3A_204 : vector<256x1xf32>
    %select_n3A_243 = arith.select %lt3A_242, %add3A_241, %select_n3A_203 : vector<256x1xi1>, vector<256x1xf32>
    %select_n3A_244 = arith.select %lt3A_242, %broadcast_in_dim3A_217, %select_n3A_204 : vector<256x1xi1>, vector<256x1xf32>
    %get3A_245 = arith.constant 0 : index
    %get3A_246 = arith.constant 6144 : index
    %get3A_247 = vector.load %arg2[%get3A_245, %get3A_246] : memref<256x8192xf32, #tpu.memory_space<vmem>>, vector<256x1024xf32>
    %get3A_248 = arith.constant 0 : index
    %get3A_249 = arith.constant 6144 : index
    %get3A_250 = vector.load %arg3[%get3A_248, %get3A_249] : memref<1x8192xf32, #tpu.memory_space<vmem>>, vector<1x1024xf32>
    %dot_general3A_251 = arith.constant dense<0.000000e+00> : vector<256x1024xf32>
    %dot_general3A_252 = tpu.matmul %get3A_1, %get3A_247, %dot_general3A_251 {dimension_numbers = #tpu.dot_dimension_numbers<[1], [0], [0], [1], [0, 0, 1, 1], [], []>, transpose_lhs_hint = false} : vector<256x256xf32>, vector<256x1024xf32>, vector<256x1024xf32> -> vector<256x1024xf32>
    %add3A_253 = vector.broadcast %get3A_250 : vector<1x1024xf32> to vector<256x1024xf32>
    %add3A_254 = arith.addf %dot_general3A_252, %add3A_253 : vector<256x1024xf32>
    %reduce_min3A_255 = arith.constant dense<0x7F800000> : vector<256xf32>
    %reduce_min3A_256 = vector.multi_reduction <minimumf>, %add3A_254, %reduce_min3A_255 [1] : vector<256x1024xf32> to vector<256xf32>
    %broadcast_in_dim3A_257 = vector.shape_cast %reduce_min3A_256 : vector<256xf32> to vector<256x1xf32>
    %broadcast_in_dim3A_258 = arith.constant 8.192000e+03 : f32
    %broadcast_in_dim3A_259 = vector.broadcast %broadcast_in_dim3A_258 : f32 to vector<256x256xf32>
    %slice3A_260 = vector.extract_strided_slice %add3A_254 {offsets = [0, 768], sizes = [256, 256], strides = [1, 1]} : vector<256x1024xf32> to vector<256x256xf32>
    %eq3A_261 = vector.broadcast %broadcast_in_dim3A_257 : vector<256x1xf32> to vector<256x256xf32>
    %eq3A_262 = arith.cmpf oeq, %slice3A_260, %eq3A_261 : vector<256x256xf32>
    %select_n3A_263 = arith.select %eq3A_262, %add3A_13, %broadcast_in_dim3A_259 : vector<256x256xi1>, vector<256x256xf32>
    %slice3A_264 = vector.extract_strided_slice %add3A_254 {offsets = [0, 512], sizes = [256, 256], strides = [1, 1]} : vector<256x1024xf32> to vector<256x256xf32>
    %eq3A_265 = vector.broadcast %broadcast_in_dim3A_257 : vector<256x1xf32> to vector<256x256xf32>
    %eq3A_266 = arith.cmpf oeq, %slice3A_264, %eq3A_265 : vector<256x256xf32>
    %select_n3A_267 = arith.select %eq3A_266, %add3A_10, %select_n3A_263 : vector<256x256xi1>, vector<256x256xf32>
    %slice3A_268 = vector.extract_strided_slice %add3A_254 {offsets = [0, 256], sizes = [256, 256], strides = [1, 1]} : vector<256x1024xf32> to vector<256x256xf32>
    %eq3A_269 = vector.broadcast %broadcast_in_dim3A_257 : vector<256x1xf32> to vector<256x256xf32>
    %eq3A_270 = arith.cmpf oeq, %slice3A_268, %eq3A_269 : vector<256x256xf32>
    %select_n3A_271 = arith.select %eq3A_270, %add3A_7, %select_n3A_267 : vector<256x256xi1>, vector<256x256xf32>
    %slice3A_272 = vector.extract_strided_slice %add3A_254 {offsets = [0, 0], sizes = [256, 256], strides = [1, 1]} : vector<256x1024xf32> to vector<256x256xf32>
    %eq3A_273 = vector.broadcast %broadcast_in_dim3A_257 : vector<256x1xf32> to vector<256x256xf32>
    %eq3A_274 = arith.cmpf oeq, %slice3A_272, %eq3A_273 : vector<256x256xf32>
    %select_n3A_275 = arith.select %eq3A_274, %add3A_4, %select_n3A_271 : vector<256x256xi1>, vector<256x256xf32>
    %reduce_min3A_276 = arith.constant dense<0x7F800000> : vector<256xf32>
    %reduce_min3A_277 = vector.multi_reduction <minimumf>, %select_n3A_275, %reduce_min3A_276 [1] : vector<256x256xf32> to vector<256xf32>
    %broadcast_in_dim3A_278 = vector.shape_cast %reduce_min3A_277 : vector<256xf32> to vector<256x1xf32>
    %add3A_279 = arith.constant 6.144000e+03 : f32
    %add3A_280 = vector.broadcast %add3A_279 : f32 to vector<256x1xf32>
    %add3A_281 = arith.addf %broadcast_in_dim3A_278, %add3A_280 : vector<256x1xf32>
    %lt3A_282 = arith.cmpf olt, %broadcast_in_dim3A_257, %select_n3A_244 : vector<256x1xf32>
    %select_n3A_283 = arith.select %lt3A_282, %add3A_281, %select_n3A_243 : vector<256x1xi1>, vector<256x1xf32>
    %select_n3A_284 = arith.select %lt3A_282, %broadcast_in_dim3A_257, %select_n3A_244 : vector<256x1xi1>, vector<256x1xf32>
    %get3A_285 = arith.constant 0 : index
    %get3A_286 = arith.constant 7168 : index
    %get3A_287 = vector.load %arg2[%get3A_285, %get3A_286] : memref<256x8192xf32, #tpu.memory_space<vmem>>, vector<256x1024xf32>
    %get3A_288 = arith.constant 0 : index
    %get3A_289 = arith.constant 7168 : index
    %get3A_290 = vector.load %arg3[%get3A_288, %get3A_289] : memref<1x8192xf32, #tpu.memory_space<vmem>>, vector<1x1024xf32>
    %dot_general3A_291 = arith.constant dense<0.000000e+00> : vector<256x1024xf32>
    %dot_general3A_292 = tpu.matmul %get3A_1, %get3A_287, %dot_general3A_291 {dimension_numbers = #tpu.dot_dimension_numbers<[1], [0], [0], [1], [0, 0, 1, 1], [], []>, transpose_lhs_hint = false} : vector<256x256xf32>, vector<256x1024xf32>, vector<256x1024xf32> -> vector<256x1024xf32>
    %add3A_293 = vector.broadcast %get3A_290 : vector<1x1024xf32> to vector<256x1024xf32>
    %add3A_294 = arith.addf %dot_general3A_292, %add3A_293 : vector<256x1024xf32>
    %reduce_min3A_295 = arith.constant dense<0x7F800000> : vector<256xf32>
    %reduce_min3A_296 = vector.multi_reduction <minimumf>, %add3A_294, %reduce_min3A_295 [1] : vector<256x1024xf32> to vector<256xf32>
    %broadcast_in_dim3A_297 = vector.shape_cast %reduce_min3A_296 : vector<256xf32> to vector<256x1xf32>
    %broadcast_in_dim3A_298 = arith.constant 8.192000e+03 : f32
    %broadcast_in_dim3A_299 = vector.broadcast %broadcast_in_dim3A_298 : f32 to vector<256x256xf32>
    %slice3A_300 = vector.extract_strided_slice %add3A_294 {offsets = [0, 768], sizes = [256, 256], strides = [1, 1]} : vector<256x1024xf32> to vector<256x256xf32>
    %eq3A_301 = vector.broadcast %broadcast_in_dim3A_297 : vector<256x1xf32> to vector<256x256xf32>
    %eq3A_302 = arith.cmpf oeq, %slice3A_300, %eq3A_301 : vector<256x256xf32>
    %select_n3A_303 = arith.select %eq3A_302, %add3A_13, %broadcast_in_dim3A_299 : vector<256x256xi1>, vector<256x256xf32>
    %slice3A_304 = vector.extract_strided_slice %add3A_294 {offsets = [0, 512], sizes = [256, 256], strides = [1, 1]} : vector<256x1024xf32> to vector<256x256xf32>
    %eq3A_305 = vector.broadcast %broadcast_in_dim3A_297 : vector<256x1xf32> to vector<256x256xf32>
    %eq3A_306 = arith.cmpf oeq, %slice3A_304, %eq3A_305 : vector<256x256xf32>
    %select_n3A_307 = arith.select %eq3A_306, %add3A_10, %select_n3A_303 : vector<256x256xi1>, vector<256x256xf32>
    %slice3A_308 = vector.extract_strided_slice %add3A_294 {offsets = [0, 256], sizes = [256, 256], strides = [1, 1]} : vector<256x1024xf32> to vector<256x256xf32>
    %eq3A_309 = vector.broadcast %broadcast_in_dim3A_297 : vector<256x1xf32> to vector<256x256xf32>
    %eq3A_310 = arith.cmpf oeq, %slice3A_308, %eq3A_309 : vector<256x256xf32>
    %select_n3A_311 = arith.select %eq3A_310, %add3A_7, %select_n3A_307 : vector<256x256xi1>, vector<256x256xf32>
    %slice3A_312 = vector.extract_strided_slice %add3A_294 {offsets = [0, 0], sizes = [256, 256], strides = [1, 1]} : vector<256x1024xf32> to vector<256x256xf32>
    %eq3A_313 = vector.broadcast %broadcast_in_dim3A_297 : vector<256x1xf32> to vector<256x256xf32>
    %eq3A_314 = arith.cmpf oeq, %slice3A_312, %eq3A_313 : vector<256x256xf32>
    %select_n3A_315 = arith.select %eq3A_314, %add3A_4, %select_n3A_311 : vector<256x256xi1>, vector<256x256xf32>
    %reduce_min3A_316 = arith.constant dense<0x7F800000> : vector<256xf32>
    %reduce_min3A_317 = vector.multi_reduction <minimumf>, %select_n3A_315, %reduce_min3A_316 [1] : vector<256x256xf32> to vector<256xf32>
    %broadcast_in_dim3A_318 = vector.shape_cast %reduce_min3A_317 : vector<256xf32> to vector<256x1xf32>
    %add3A_319 = arith.constant 7.168000e+03 : f32
    %add3A_320 = vector.broadcast %add3A_319 : f32 to vector<256x1xf32>
    %add3A_321 = arith.addf %broadcast_in_dim3A_318, %add3A_320 : vector<256x1xf32>
    %lt3A_322 = arith.cmpf olt, %broadcast_in_dim3A_297, %select_n3A_284 : vector<256x1xf32>
    %select_n3A_323 = arith.select %lt3A_322, %add3A_321, %select_n3A_283 : vector<256x1xi1>, vector<256x1xf32>
    %select_n3A_324 = arith.select %lt3A_322, %broadcast_in_dim3A_297, %select_n3A_284 : vector<256x1xi1>, vector<256x1xf32>
    %convert_element_type3A_325 = arith.fptosi %select_n3A_323 : vector<256x1xf32> to vector<256x1xi32>
    %swap3A = arith.constant 0 : index
    %swap3A_326 = arith.constant 0 : index
    %swap3A_327 = vector.load %arg4[%swap3A, %swap3A_326] : memref<256x1xi32, #tpu.memory_space<vmem>>, vector<256x1xi32>
    tpu.vector_store %arg4[%swap3A, %swap3A_326], %convert_element_type3A_325 {strides = array<i32>} : memref<256x1xi32, #tpu.memory_space<vmem>>, vector<256x1xi32>,
    %add3A_328 = arith.addf %broadcast_in_dim3A, %select_n3A_324 : vector<256x1xf32>
    %reduce_sum3A_329 = arith.constant dense<0.000000e+00> : vector<1xf32>
    %reduce_sum3A_330 = vector.multi_reduction <add>, %add3A_328, %reduce_sum3A_329 [0] : vector<256x1xf32> to vector<1xf32>
    %broadcast_in_dim3A_331 = vector.shape_cast %reduce_sum3A_330 : vector<1xf32> to vector<1x1xf32>
    %reshape3A = vector.shape_cast %broadcast_in_dim3A_331 : vector<1x1xf32> to vector<1x1x1xf32>
    %swap3A_332 = arith.constant 0 : index
    %swap3A_333 = arith.constant 0 : index
    %swap3A_334 = arith.constant 0 : index
    %swap3A_335 = vector.load %arg5[%swap3A_332, %swap3A_333, %swap3A_334] : memref<1x1x1xf32, #tpu.memory_space<vmem>>, vector<1x1x1xf32>
    tpu.vector_store %arg5[%swap3A_332, %swap3A_333, %swap3A_334], %reshape3A {strides = array<i32>} : memref<1x1x1xf32, #tpu.memory_space<vmem>>, vector<1x1x1xf32>,
    return
  }
  func.func @transform_0(%arg0: i32) -> (i32, i32) {
    %c0_i32 = arith.constant 0 : i32
    %c0_i32_0 = arith.constant 0 : i32
    return %arg0, %c0_i32 : i32, i32
  }
  func.func @transform_1(%arg0: i32) -> (i32, i32) {
    %c0_i32 = arith.constant 0 : i32
    %c0_i32_0 = arith.constant 0 : i32
    %c0_i32_1 = arith.constant 0 : i32
    return %c0_i32, %c0_i32_0 : i32, i32
  }
  func.func @transform_2(%arg0: i32) -> (i32, i32) {
    %c0_i32 = arith.constant 0 : i32
    %c0_i32_0 = arith.constant 0 : i32
    %c0_i32_1 = arith.constant 0 : i32
    return %c0_i32, %c0_i32_0 : i32, i32
  }
  func.func @transform_3(%arg0: i32) -> (i32, i32) {
    %c0_i32 = arith.constant 0 : i32
    %c0_i32_0 = arith.constant 0 : i32
    return %arg0, %c0_i32 : i32, i32
  }
  func.func @transform_4(%arg0: i32) -> (i32, i32, i32) {
    %c0_i32 = arith.constant 0 : i32
    %c0_i32_0 = arith.constant 0 : i32
    %c0_i32_1 = arith.constant 0 : i32
    return %arg0, %c0_i32, %c0_i32_0 : i32, i32, i32
  }
}

</mosaic_0001>

<sc_bundles>
// kernel: kernel.4.cloned.1.call-start
scs
__scs_entry_jumppad:
0x0: {  	(pc) =	sbr.rel $0x88, $3  }
0x1: {  	(tag) =	ssettag $0x0;
	lr =	simm.s32 $0x1  }
0x2: {  	[smem:$0x3F9F] =	sst lr;
	_ =	strace $0xD0000000  }
0x3: {  	_ = 	snop  }
0x4: {  	_ = 	snop  }
0x5: {  	_ = 	snop  }
0x6: {  	_ = 	snop  }
0x7: {  	_ = 	snop  }
__scs_overlays_trampoline_lowered:
0x8: {  	[smem:$0x3FAE] =	sst s0  }
0x9: {  	[smem:$0x3FAF] =	sst s1  }
0xa: {  	[smem:$0x3FB0] =	sst s2  }
0xb: {  	[smem:$0x3FB1] =	sst s3  }
0xc: {  	[smem:$0x3FB2] =	sst s4  }
0xd: {  	[smem:$0x3FB3] =	sst s5  }
0xe: {  	[smem:$0x3FB4] =	sst s6  }
0xf: {  	[smem:$0x3FB5] =	sst s7  }
0x10: {  	[smem:$0x3FB6] =	sst s8  }
0x11: {  	[smem:$0x3FB7] =	sst s9;
	s0 =	simm.s32 @!p0 $0x0  }
0x12: {  	s1 =	sld [smem:$0x3F9D];
	s0 =	simm.s32 @p0 $0x1  }
0x13: {  	[smem:$0x3FB8] =	sst s0;
	s0 =	simm.s32 @!p1 $0x0  }
0x14: {  	s2 =	sld [smem:$0x3F9C];
	s0 =	simm.s32 @p1 $0x1  }
0x15: {  	[smem:$0x3FB9] =	sst s0;
	s0 =	simm.s32 @!p2 $0x0  }
0x16: {  	s3 =	sld [smem:$0x3FDB];
	s0 =	simm.s32 @p2 $0x1  }
0x17: {  	s4 =	simm.s32 $0x1BF5;
	[smem:$0x3FBB] =	sst s0  }
0x18: {  	s0 =	sld [smem:$0x3F9E];
	_ =	swait.ge [sflag:s4], $0x0  }
0x19: {  	s7 =	sld [smem:$0x3F9F]  }
0x1a: {  	s8 =	sadd.s32 $0xFFFFE003, lr  }
0x1b: {  	s9 =	sadd.s32 $0xFFFFFEF7, lr;
	s5 =	simm.s32 $0xFFFFFFFF;
	p2 =	slt.u32 s8, $0xFFFFF086  }
0x1c: {  	p1 =	slt.u32 s9, $0xF7A;
	s5 =	simm.s32 @!p2 $0x0  }
0x1d: {  	s5 =	simm.s32 @p1 $0x1;
	p0 =	seq.s32 s7, s2  }
0x1e: {  	s7 =	smul.u32 @!p0 $0xF7A, s2;
	p2 =	seq.s32 @!p0 s5, $0x0  }
0x1f: {  	s9 =	smul.u32 $0xF7A, s1;
	s8 =	simm.s32 @!p0 $0x1BF5;
	p2 =	por !p2, p0  }
0x20: {  	[sflag:s8] =	ssyncset.s32 @!p0 $0xFFFFF086;
	s6 =	sadd.s32 @!p0 s3, s7;
	s7 =	simm.s32 @!p0 $0x108  }
0x21: {  	s3 =	sadd.s32 s3, s9;
	s6 =	sadd.s32 @!p0 $0x88, s6;
	s7 =	simm.s32 @p2 $0x1082  }
0x22: {  	[simem:s7], [sflag:s8] =	dma.local @!p0 [hbm:s6], $0xF7A  }
0x23: {  	s9 =	sor.u32 $0xD0000000, s2;
	s6 =	simm.s32 $0x108;
	_ =	swait.ge @!p0 [sflag:s8], $0x0  }
0x24: {  	s3 =	sadd.s32 $0x88, s3;
	s6 =	simm.s32 @!p1 $0x1082;
	[sflag:s4] =	ssyncset.s32 $0xFFFFF086  }
0x25: {  	[simem:s6], [sflag:s4] =	dma.local [hbm:s3], $0xF7A  }
0x26: {  	[smem:$0x3F9F] =	sst s1;
	(tag) =	ssettag s2;
	_ =	strace s9  }
0x27: {  	s1 =	sld [smem:$0x3FAF]  }
0x28: {  	s2 =	sld [smem:$0x3FB0]  }
0x29: {  	s4 =	sld [smem:$0x3FB2]  }
0x2a: {  	p0 =	seq.s32 s5, $0x0;
	s5 =	sld [smem:$0x3FB3]  }
0x2b: {  	s6 =	sld [smem:$0x3FB4]  }
0x2c: {  	s7 =	sld [smem:$0x3FB5]  }
0x2d: {  	s3 =	simm.s32 $0x108;
	s8 =	sld [smem:$0x3FB6]  }
0x2e: {  	s3 =	simm.s32 @!p0 $0x1082;
	s9 =	sld [smem:$0x3FB7]  }
0x2f: {  	lr =	sadd.s32 s0, s3;
	s0 =	sld [smem:$0x3FAE]  }
0x30: {  	s3 =	sld [smem:$0x3FB1]  }
0x31: {  	[smem:$0x3FBA] =	sst s10  }
0x32: {  	s10 =	sld [smem:$0x3FB8];
	_ =	sdelay $0x3  }
0x33: {  	p0 =	seq.s32 s10, $0x1;
	s10 =	sld [smem:$0x3FBA];
	_ =	sdelay $0x3  }
0x34: {  	[smem:$0x3FBA] =	sst s10  }
0x35: {  	s10 =	sld [smem:$0x3FB9];
	_ =	sdelay $0x3  }
0x36: {  	p1 =	seq.s32 s10, $0x1;
	s10 =	sld [smem:$0x3FBA];
	_ =	sdelay $0x3  }
0x37: {  	[smem:$0x3FBA] =	sst s10  }
0x38: {  	s10 =	sld [smem:$0x3FBB]  }
0x39: {  	_ = 	snop;
	(pc) =	sbr.ind lr, $3  }
0x3a: {  	_ = 	snop  }
0x3b: {  	_ = 	snop  }
0x3c: {  	p2 =	seq.s32 s10, $0x1;
	s10 =	sld [smem:$0x3FBA]  }
0x3d: {  	_ =	shalt  }
0x3e: {  	_ =	shalt  }
0x3f: {  	_ =	shalt  }
0x40: {  	_ =	shalt  }
0x41: {  	_ =	shalt  }
0x42: {  	_ =	shalt  }
0x43: {  	_ =	shalt  }
0x44: {  	_ =	shalt  }
0x45: {  	_ =	shalt  }
0x46: {  	_ =	shalt  }
0x47: {  	_ =	shalt  }
0x48: {  	_ =	shalt  }
0x49: {  	_ =	shalt  }
0x4a: {  	_ =	shalt  }
0x4b: {  	_ =	shalt  }
0x4c: {  	_ =	shalt  }
0x4d: {  	_ =	shalt  }
0x4e: {  	_ =	shalt  }
0x4f: {  	_ =	shalt  }
0x50: {  	_ =	shalt  }
0x51: {  	_ =	shalt  }
0x52: {  	_ =	shalt  }
0x53: {  	_ =	shalt  }
0x54: {  	_ =	shalt  }
0x55: {  	_ =	shalt  }
0x56: {  	_ =	shalt  }
0x57: {  	_ =	shalt  }
0x58: {  	_ =	shalt  }
0x59: {  	_ =	shalt  }
0x5a: {  	_ =	shalt  }
0x5b: {  	_ =	shalt  }
0x5c: {  	_ =	shalt  }
0x5d: {  	_ =	shalt  }
0x5e: {  	_ =	shalt  }
0x5f: {  	_ =	shalt  }
0x60: {  	_ =	shalt  }
0x61: {  	_ =	shalt  }
0x62: {  	_ =	shalt  }
0x63: {  	_ =	shalt  }
0x64: {  	_ =	shalt  }
0x65: {  	_ =	shalt  }
0x66: {  	_ =	shalt  }
0x67: {  	_ =	shalt  }
0x68: {  	_ =	shalt  }
0x69: {  	_ =	shalt  }
0x6a: {  	_ =	shalt  }
0x6b: {  	_ =	shalt  }
0x6c: {  	_ =	shalt  }
0x6d: {  	_ =	shalt  }
0x6e: {  	_ =	shalt  }
0x6f: {  	_ =	shalt  }
0x70: {  	_ =	shalt  }
0x71: {  	_ =	shalt  }
0x72: {  	_ =	shalt  }
0x73: {  	_ =	shalt  }
0x74: {  	_ =	shalt  }
0x75: {  	_ =	shalt  }
0x76: {  	_ =	shalt  }
0x77: {  	_ =	shalt  }
0x78: {  	_ =	shalt  }
0x79: {  	_ =	shalt  }
0x7a: {  	_ =	shalt  }
0x7b: {  	_ =	shalt  }
0x7c: {  	_ =	shalt  }
0x7d: {  	_ =	shalt  }
0x7e: {  	_ =	shalt  }
0x7f: {  	_ =	shalt  }
0x80: {  	_ =	shalt  }
0x81: {  	_ =	shalt  }
0x82: {  	_ =	shalt  }
0x83: {  	_ =	shalt  }
0x84: {  	_ =	shalt  }
0x85: {  	_ =	shalt  }
0x86: {  	_ =	shalt  }
0x87: {  	_ =	shalt  }
.Lfunc_end0:
.L_simem_size_0:
called_computation_lowered:
.L_overlay_start_0:
0x88: {  	s2 =	sld [smem:$0x3FD9]  }
0x89: {  	s3 =	sld [smem:$0x3FFE];
	_ =	sdelay $0x1  }
0x8a: {  	s1 =	srdreg.scid  }
0x8b: {  	s0 =	sand.u32 $0x1, s1  }
0x8c: {  	s14 =	sshll.u32 s0, $0xA;
	s2 =	sadd.s32 s3, s2  }
0x8d: {  	s2 =	sadd.s32 s2, s14  }
0x8e: {  	[smem:$0x3FC6] =	sst s2  }
0x8f: {  	_ = 	snop  }
0x90: {  	s2 =	sld [smem:$0x3FD0];
	_ =	sdelay $0x2  }
0x91: {  	s15 =	simm.s32 $0xA;
	s4 =	simm.s32 $0x10  }
0x92: {  	[smem:s4], [sflag:s15] =	dma.local [hbm:s2], $0x1  }
0x93: {  	_ =	swait.eq [sflag:s15], $0x1  }
0x94: {  	[sflag:s15] =	ssyncset.done $0x0  }
0x95: {  	[sflag:s15] =	ssyncadd.s32 $0xFFFFFFFF  }
0x96: {  	s16 =	sld [smem:$0x10];
	(tm) =	ssettm $0x1  }
0x97: {  	s17 =	sld [smem:$0x3FFB];
	_ =	sdelay $0x3  }
0x98: {  	_ =	strace s17  }
0x99: {  	s3 =	sld [smem:$0x3FFC];
	_ =	sdelay $0x3  }
0x9a: {  	_ =	strace s3  }
0x9b: {  	s3 =	sld [smem:$0x3FFD];
	_ =	sdelay $0x3  }
0x9c: {  	_ =	strace s3  }
0x9d: {  	_ =	strace $0x8FFFFFFF  }
0x9e: {  	s18 =	sld [smem:$0x3FDB];
	_ =	sdelay $0x1  }
0x9f: {  	s19 =	simm.s32 $_scs_section_size  }
0xa0: {  	s5 =	simm.s32 $_size__tile_overlayer_lowered;
	s6 =	simm.s32 $_tile_overlayer_lowered  }
0xa1: {  	s22 =	simm.s32 $0x1BFF;
	s21 =	sshll.u32 s6, $0x1;
	s3 =	sadd.s32 s19, s18  }
0xa2: {  	s7 =	simm.s32 $0x0;
	s20 =	sshll.u32 s5, $0x1;
	s5 =	sadd.s32 s21, s3  }
0xa3: {  	[timem:s7], [sflag:s22] =	dma.local [hbm:s5], s20  }
0xa4: {  	_ =	swait.ge [sflag:s22], s20  }
0xa5: {  	s4 =	ssub.s32 $0x0, s20;
	[sflag:s22] =	ssyncset.done $0x0  }
0xa6: {  	[sflag:s22] =	ssyncadd.s32 s4;
	_ =	sdelay $0x1  }
0xa7: {  	s23 =	simm.s32 $0x1B8B  }
0xa8: {  	_ =	swait.ge [sflag:s23], $0x1  }
0xa9: {  	[sflag:s23] =	ssyncset.done $0x0  }
0xaa: {  	s25 =	simm.s32 $0x1B8E;
	s24 =	sld [smem:$0x3FFE];
	[sflag:s23] =	ssyncadd.s32 $0xFFFFFFFF  }
0xab: {  	s26 =	simm.s32 $execute0_lowered;
	[smem:$0x3FD2] =	sst s25  }
0xac: {  	s5 =	sshll.u32 s26, $0x1;
	_ =	strace $0x80000046;
	[dreg:$0x1] =	wrdreg $0xFFFFFFFF  }
0xad: {  	s28 =	simm.s32 $_size_execute0_lowered;
	s3 =	sadd.s32 s3, s5;
	[dreg:$0x0] =	wrdreg $0x0  }
0xae: {  	s5 =	sshll.u32 s28, $0x1;
	[dreg:$0x2] =	wrdreg s3  }
0xaf: {  	[dreg:$0x3] =	wrdreg s5  }
0xb0: {  	[dreg:$0x4] =	wrdreg $0xC0  }
0xb1: {  	_ =	task [dreg:s7], $0x5FFFF  }
0xb2: {  	[dreg:$0x1] =	wrdreg $0xFFFFFFFF  }
0xb3: {  	[dreg:$0x0] =	wrdreg $0x60  }
0xb4: {  	[dreg:$0x2] =	wrdreg s24  }
0xb5: {  	[dreg:$0x3] =	wrdreg s16  }
0xb6: {  	[dreg:$0x4] =	wrdreg $0x9  }
0xb7: {  	_ =	task.clear_ibuf [dreg:s7], $0x5FFFF;
	_ =	strace $0x90000046  }
0xb8: {  	s29 =	simm.s32 $0x9;
	_ =	strace $0x80000048  }
0xb9: {  	_ =	swait.ge [sflag:s29], $0x1  }
0xba: {  	[sflag:s29] =	ssyncadd.s32 $0xFFFFFFFF  }
0xbb: {  	_ =	strace $0x90000048  }
0xbc: {  	_ =	sfence  }
0xbd: {  	s30 =	sld [smem:$0x0];
	_ =	sdelay $0x2  }
0xbe: {  	s31 =	sshll.u32 s1, $0xD;
	s1 =	sshrl.u32 s1, $0x2  }
0xbf: {  	s3 =	sand.u32 $0x4000, s31;
	s1 =	sadd.s32 s1, s30  }
0xc0: {  	s0 =	sor.u32 s3, s0;
	s1 =	sshll.u32 s1, $0x11  }
0xc1: {  	s0 =	sor.u32 s1, s0  }
0xc2: {  	s0 =	sadd.s32 $0x8F2B, s0  }
0xc3: {  	[sflag:s0] =	ssyncadd.remote.s32 $0x1  }
0xc4: {  	_ =	sfence.sel $0xFFFF  }
0xc5: {  	[dreg:$0x0] =	wrdreg $0xFFFFFFFF;
	(pc) =	sbr.abs _section_cstart, $3  }
0xc6: {  	[dreg:$0x1] =	wrdreg $0xFFFFFFFF  }
0xc7: {  	_ =	task.clear_ibuf [dreg:s7], $0x2FFFF;
	_ =	strace $0x9FFFFFFF  }
0xc8: {  	(tm) =	ssettm $0x7FFFFFFF  }
0xc9: {  	_ =	shalt  }
tec
execute0_lowered:
.L_overlay_start_1:
0x0: {  	(tag) =	ssettag $0x1  }
0x1: {  	s0 =	srdreg.scid;
	s2 =	rddreg [dreg:$0x0]  }
0x2: {  	s1 =	stileid.u32;
	s4 =	rddreg [dreg:$0x1]  }
0x3: {  	s28 =	simm.s32 $0x400;
	s13 =	simm.s32 $0x1;
	s14 =	simm.s32 $0x4  }
0x4: {  	s15 =	simm.s32 $0x2;
	s16 =	simm.s32 $0x5;
	s17 =	simm.s32 $0x3  }
0x5: {  	s18 =	simm.s32 $0x6;
	s29 =	simm.s32 $0x4400;
	s30 =	simm.s32 $0x4C00  }
0x6: {  	s31 =	simm.s32 $0x5400;
	s7 =	simm.s32 $0x10C00;
	s0 =	sand.u32 $0x1, s0  }
0x7: {  	s10 =	simm.s32 $0x11400;
	s1 =	sshll.u32 s1, $0xB;
	s3 =	sshll.u32 s0, $0xA  }
0x8: {  	s11 =	simm.s32 $0x11C00;
	s12 =	simm.s32 $0x12400;
	s1 =	sor.u32 s3, s1  }
0x9: {  	s3 =	simm.s32 $0x0;
	s5 =	sshrl.u32 s1, $0x3;
	s1 =	sshll.u32 s1, $0x5  }
0xa: {  	[smem:$0x7FF] =	sst s3;
	s5 =	sadd.s32 s5, s2;
	s6 =	sadd.s32 s4, s1  }
0xb: {  	_ =	strace $0x80000047;
	s5 =	sadd.s32 $0x40000, s5;
	[dreg:$0xb] =	wrdreg s6  }
0xc: {  	s8 =	simm.s32 $0x14400;
	s1 =	sadd.s32 $0x1000, s6;
	[dreg:$0x3] =	wrdreg s5  }
0xd: {  	s9 =	simm.s32 $0x14C00;
	s20 =	sadd.s32 $0x2000, s6;
	[dreg:$0x4] =	wrdreg s1  }
0xe: {  	s0 =	ssub.s32 $0x2, s0;
	s21 =	sadd.s32 $0x3000, s6;
	[dreg:$0x5] =	wrdreg s20  }
0xf: {  	s24 =	sshrl.u32 s0, $0x1;
	s22 =	sadd.s32 $0x4000, s6;
	[dreg:$0x6] =	wrdreg s21  }
0x10: {  	s0 =	ssub.s32 s0, s24;
	s23 =	sadd.s32 $0x5000, s6;
	[dreg:$0x7] =	wrdreg s22  }
0x11: {  	s24 =	simm.s32 $0x16C00;
	s25 =	sadd.s32 $0x6000, s6;
	[dreg:$0x8] =	wrdreg s23  }
0x12: {  	s4 =	simm.s32 $0x13400;
	s26 =	sadd.s32 $0x7000, s6;
	[dreg:$0x9] =	wrdreg s25  }
0x13: {  	v2 =	vlaneseq.u32;
	s6 =	simm.s32 $0x13C00;
	[dreg:$0xa] =	wrdreg s26;
	s5 =	smax.u32 s0, $0x1  }
0x14: {  	vm0 =	vmmov $0xffff;
	v1 =	vshrl.u32 v2, $0x3;
	s23 =	simm.s32 $0x8400;
	s20 =	simm.s32 $0x15400;
	s21 =	simm.s32 $0x15C00  }
0x15: {  	v0 =	vand.u32 $0x7, v2;
	v2 =	vor.u32 $0x8, v2;
	v1 =	vmul.u32 $0x8, v1;
	s22 =	simm.s32 $0x16400;
	s25 =	simm.s32 $0x17400;
	s26 =	simm.s32 $0x17C00  }
.LBB2_1:
0x16: {  	s19 =	rddreg [dreg:$0x3];
	s0 =	simm.s32 $0x7  }
0x17: {  	[tilespmem:s3], [sflag:$0x7] =	stream.linear.gather [hbm4b:s19+s3], $0x400, $0x38;
	[tilespmem:$0x18400] =	vst v63  }
0x18: {  	_ =	swait.ge [sflag:s0], $0x400  }
0x19: {  	[sflag:s0] =	ssyncset.done $0x0  }
0x1a: {  	[sflag:s0] =	ssyncadd.s32 $0xFFFFFC00  }
0x1b: {  	v3 =	vld [tilespmem:$0x0];
	_ =	sdelay $0x4  }
0x1c: {  	v4 =	vshll.u32 v3, $0x1  }
0x1d: {  	v3 =	vand.u32 $0x7, v3;
	v4 =	vand.u32 $0xFFFFFFF0, v4  }
0x1e: {  	v3 =	vor.u32 v3, v4  }
0x1f: {  	v4 =	vperm.xlane v3, v0;
	_ =	sdelay $0x1  }
0x20: {  	v3 =	vperm.xlane v3, v2;
	v4 =	vadd.s32 v1, v4;
	_ =	sdelay $0x1  }
0x21: {  	v3 =	vadd.s32 v1, v3;
	_ =	sdelay $0x2  }
0x22: {  	[tilespmem:s28], [sflag:$0x1] =	stream.indirect_vreg.gather [hbm4b:s2+s3], $0x80, v4, vm0, $0xb8;
	[tilespmem:$0x18400] =	vst v63  }
0x23: {  	s0 =	simm.s32 $0xC00  }
0x24: {  	[tilespmem:s0], [sflag:$0x1] =	stream.indirect_vreg.gather [hbm4b:s2+s3], $0x80, v3, vm0, $0xb8;
	[tilespmem:$0x18400] =	vst v63  }
0x25: {  	v3 =	vld [tilespmem:$0x10];
	_ =	sdelay $0x4  }
0x26: {  	v57 =	vshll.u32 v3, $0x1  }
0x27: {  	v3 =	vand.u32 $0x7, v3;
	v4 =	vand.u32 $0xFFFFFFF0, v57  }
0x28: {  	v3 =	vor.u32 v3, v4  }
0x29: {  	v4 =	vperm.xlane v3, v0;
	_ =	sdelay $0x1  }
0x2a: {  	v3 =	vperm.xlane v3, v2;
	v4 =	vadd.s32 v1, v4;
	_ =	sdelay $0x1  }
0x2b: {  	v3 =	vadd.s32 v1, v3;
	_ =	sdelay $0x1  }
0x2c: {  	s1 =	simm.s32 $0x1400  }
0x2d: {  	[tilespmem:s1], [sflag:$0x1] =	stream.indirect_vreg.gather [hbm4b:s2+s3], $0x80, v4, vm0, $0xb8;
	[tilespmem:$0x18400] =	vst v63  }
0x2e: {  	s19 =	simm.s32 $0x1C00  }
0x2f: {  	[tilespmem:s19], [sflag:$0x1] =	stream.indirect_vreg.gather [hbm4b:s2+s3], $0x80, v3, vm0, $0xb8;
	[tilespmem:$0x18400] =	vst v63  }
0x30: {  	v3 =	vld [tilespmem:$0x20];
	_ =	sdelay $0x4  }
0x31: {  	v58 =	vshll.u32 v3, $0x1  }
0x32: {  	v3 =	vand.u32 $0x7, v3;
	v4 =	vand.u32 $0xFFFFFFF0, v58  }
0x33: {  	v3 =	vor.u32 v3, v4  }
0x34: {  	v4 =	vperm.xlane v3, v0;
	_ =	sdelay $0x1  }
0x35: {  	v3 =	vperm.xlane v3, v2;
	v4 =	vadd.s32 v1, v4;
	_ =	sdelay $0x1  }
0x36: {  	v3 =	vadd.s32 v1, v3;
	_ =	sdelay $0x1  }
0x37: {  	s1 =	simm.s32 $0x2400  }
0x38: {  	[tilespmem:s1], [sflag:$0x1] =	stream.indirect_vreg.gather [hbm4b:s2+s3], $0x80, v4, vm0, $0xb8;
	[tilespmem:$0x18400] =	vst v63  }
0x39: {  	s19 =	simm.s32 $0x2C00  }
0x3a: {  	[tilespmem:s19], [sflag:$0x1] =	stream.indirect_vreg.gather [hbm4b:s2+s3], $0x80, v3, vm0, $0xb8;
	[tilespmem:$0x18400] =	vst v63  }
0x3b: {  	v3 =	vld [tilespmem:$0x30];
	_ =	sdelay $0x4  }
0x3c: {  	v59 =	vshll.u32 v3, $0x1  }
0x3d: {  	v3 =	vand.u32 $0x7, v3;
	v4 =	vand.u32 $0xFFFFFFF0, v59  }
0x3e: {  	v3 =	vor.u32 v3, v4  }
0x3f: {  	v4 =	vperm.xlane v3, v0;
	_ =	sdelay $0x1  }
0x40: {  	v3 =	vperm.xlane v3, v2;
	v4 =	vadd.s32 v1, v4;
	_ =	sdelay $0x1  }
0x41: {  	v3 =	vadd.s32 v1, v3;
	_ =	sdelay $0x1  }
0x42: {  	s1 =	simm.s32 $0x3400  }
0x43: {  	[tilespmem:s1], [sflag:$0x1] =	stream.indirect_vreg.gather [hbm4b:s2+s3], $0x80, v4, vm0, $0xb8;
	[tilespmem:$0x18400] =	vst v63  }
0x44: {  	s19 =	simm.s32 $0x3C00  }
0x45: {  	[tilespmem:s19], [sflag:$0x1] =	stream.indirect_vreg.gather [hbm4b:s2+s3], $0x80, v3, vm0, $0xb8;
	[tilespmem:$0x18400] =	vst v63  }
0x46: {  	v3 =	vld [tilespmem:$0x40];
	_ =	sdelay $0x4  }
0x47: {  	v60 =	vshll.u32 v3, $0x1  }
0x48: {  	v3 =	vand.u32 $0x7, v3;
	v4 =	vand.u32 $0xFFFFFFF0, v60  }
0x49: {  	v3 =	vor.u32 v3, v4  }
0x4a: {  	v4 =	vperm.xlane v3, v0;
	_ =	sdelay $0x1  }
0x4b: {  	v3 =	vperm.xlane v3, v2;
	v4 =	vadd.s32 v1, v4;
	_ =	sdelay $0x1  }
0x4c: {  	v3 =	vadd.s32 v1, v3;
	_ =	sdelay $0x2  }
0x4d: {  	[tilespmem:s29], [sflag:$0x1] =	stream.indirect_vreg.gather [hbm4b:s2+s3], $0x80, v4, vm0, $0xb8;
	[tilespmem:$0x18400] =	vst v63  }
0x4e: {  	_ = 	snop  }
0x4f: {  	[tilespmem:s30], [sflag:$0x1] =	stream.indirect_vreg.gather [hbm4b:s2+s3], $0x80, v3, vm0, $0xb8;
	[tilespmem:$0x18400] =	vst v63  }
0x50: {  	v3 =	vld [tilespmem:$0x50];
	_ =	sdelay $0x4  }
0x51: {  	v61 =	vshll.u32 v3, $0x1  }
0x52: {  	v3 =	vand.u32 $0x7, v3;
	v4 =	vand.u32 $0xFFFFFFF0, v61  }
0x53: {  	v3 =	vor.u32 v3, v4  }
0x54: {  	v4 =	vperm.xlane v3, v0;
	_ =	sdelay $0x1  }
0x55: {  	v3 =	vperm.xlane v3, v2;
	v4 =	vadd.s32 v1, v4;
	_ =	sdelay $0x1  }
0x56: {  	v3 =	vadd.s32 v1, v3;
	_ =	sdelay $0x2  }
0x57: {  	[tilespmem:s31], [sflag:$0x1] =	stream.indirect_vreg.gather [hbm4b:s2+s3], $0x80, v4, vm0, $0xb8;
	[tilespmem:$0x18400] =	vst v63  }
0x58: {  	s1 =	simm.s32 $0x5C00  }
0x59: {  	[tilespmem:s1], [sflag:$0x1] =	stream.indirect_vreg.gather [hbm4b:s2+s3], $0x80, v3, vm0, $0xb8;
	[tilespmem:$0x18400] =	vst v63  }
0x5a: {  	v3 =	vld [tilespmem:$0x60];
	_ =	sdelay $0x4  }
0x5b: {  	v62 =	vshll.u32 v3, $0x1  }
0x5c: {  	v3 =	vand.u32 $0x7, v3;
	v4 =	vand.u32 $0xFFFFFFF0, v62  }
0x5d: {  	v3 =	vor.u32 v3, v4  }
0x5e: {  	v4 =	vperm.xlane v3, v0;
	_ =	sdelay $0x1  }
0x5f: {  	v3 =	vperm.xlane v3, v2;
	v4 =	vadd.s32 v1, v4;
	_ =	sdelay $0x1  }
0x60: {  	v3 =	vadd.s32 v1, v3;
	_ =	sdelay $0x1  }
0x61: {  	s19 =	simm.s32 $0x6400  }
0x62: {  	[tilespmem:s19], [sflag:$0x1] =	stream.indirect_vreg.gather [hbm4b:s2+s3], $0x80, v4, vm0, $0xb8;
	[tilespmem:$0x18400] =	vst v63  }
0x63: {  	s1 =	simm.s32 $0x6C00  }
0x64: {  	[tilespmem:s1], [sflag:$0x1] =	stream.indirect_vreg.gather [hbm4b:s2+s3], $0x80, v3, vm0, $0xb8;
	[tilespmem:$0x18400] =	vst v63  }
0x65: {  	v3 =	vld [tilespmem:$0x70];
	_ =	sdelay $0x4  }
0x66: {  	v63 =	vshll.u32 v3, $0x1  }
0x67: {  	v3 =	vand.u32 $0x7, v3;
	v4 =	vand.u32 $0xFFFFFFF0, v63  }
0x68: {  	v3 =	vor.u32 v3, v4  }
0x69: {  	v4 =	vperm.xlane v3, v0;
	_ =	sdelay $0x1  }
0x6a: {  	v3 =	vperm.xlane v3, v2;
	v4 =	vadd.s32 v1, v4;
	_ =	sdelay $0x1  }
0x6b: {  	v3 =	vadd.s32 v1, v3;
	_ =	sdelay $0x1  }
0x6c: {  	s19 =	simm.s32 $0x7400  }
0x6d: {  	[tilespmem:s19], [sflag:$0x1] =	stream.indirect_vreg.gather [hbm4b:s2+s3], $0x80, v4, vm0, $0xb8;
	[tilespmem:$0x18400] =	vst v63  }
0x6e: {  	s1 =	simm.s32 $0x7C00  }
0x6f: {  	[tilespmem:s1], [sflag:$0x1] =	stream.indirect_vreg.gather [hbm4b:s2+s3], $0x80, v3, vm0, $0xb8;
	[tilespmem:$0x18400] =	vst v63  }
0x70: {  	v3 =	vld [tilespmem:$0x80];
	_ =	sdelay $0x4  }
0x71: {  	v8 =	vshll.u32 v3, $0x1  }
0x72: {  	v3 =	vand.u32 $0x7, v3;
	v4 =	vand.u32 $0xFFFFFFF0, v8  }
0x73: {  	v3 =	vor.u32 v3, v4  }
0x74: {  	v4 =	vperm.xlane v3, v0;
	_ =	sdelay $0x1  }
0x75: {  	v3 =	vperm.xlane v3, v2;
	v4 =	vadd.s32 v1, v4;
	_ =	sdelay $0x1  }
0x76: {  	v3 =	vadd.s32 v1, v3;
	_ =	sdelay $0x2  }
0x77: {  	[tilespmem:s23], [sflag:$0x2] =	stream.indirect_vreg.gather [hbm4b:s2+s3], $0x80, v4, vm0, $0xb8;
	[tilespmem:$0x18400] =	vst v63  }
0x78: {  	s19 =	simm.s32 $0x8C00  }
0x79: {  	[tilespmem:s19], [sflag:$0x2] =	stream.indirect_vreg.gather [hbm4b:s2+s3], $0x80, v3, vm0, $0xb8;
	[tilespmem:$0x18400] =	vst v63  }
0x7a: {  	v3 =	vld [tilespmem:$0x90];
	_ =	sdelay $0x4  }
0x7b: {  	v9 =	vshll.u32 v3, $0x1  }
0x7c: {  	v3 =	vand.u32 $0x7, v3;
	v4 =	vand.u32 $0xFFFFFFF0, v9  }
0x7d: {  	v3 =	vor.u32 v3, v4  }
0x7e: {  	v4 =	vperm.xlane v3, v0;
	_ =	sdelay $0x1  }
0x7f: {  	v3 =	vperm.xlane v3, v2;
	v4 =	vadd.s32 v1, v4;
	_ =	sdelay $0x1  }
0x80: {  	v3 =	vadd.s32 v1, v3;
	_ =	sdelay $0x1  }
0x81: {  	s1 =	simm.s32 $0x9400  }
0x82: {  	[tilespmem:s1], [sflag:$0x2] =	stream.indirect_vreg.gather [hbm4b:s2+s3], $0x80, v4, vm0, $0xb8;
	[tilespmem:$0x18400] =	vst v63  }
0x83: {  	s19 =	simm.s32 $0x9C00  }
0x84: {  	[tilespmem:s19], [sflag:$0x2] =	stream.indirect_vreg.gather [hbm4b:s2+s3], $0x80, v3, vm0, $0xb8;
	[tilespmem:$0x18400] =	vst v63  }
0x85: {  	v3 =	vld [tilespmem:$0xA0];
	_ =	sdelay $0x4  }
0x86: {  	v10 =	vshll.u32 v3, $0x1  }
0x87: {  	v3 =	vand.u32 $0x7, v3;
	v4 =	vand.u32 $0xFFFFFFF0, v10  }
0x88: {  	v3 =	vor.u32 v3, v4  }
0x89: {  	v4 =	vperm.xlane v3, v0;
	_ =	sdelay $0x1  }
0x8a: {  	v3 =	vperm.xlane v3, v2;
	v4 =	vadd.s32 v1, v4;
	_ =	sdelay $0x1  }
0x8b: {  	v3 =	vadd.s32 v1, v3;
	_ =	sdelay $0x1  }
0x8c: {  	s1 =	simm.s32 $0xA400  }
0x8d: {  	[tilespmem:s1], [sflag:$0x2] =	stream.indirect_vreg.gather [hbm4b:s2+s3], $0x80, v4, vm0, $0xb8;
	[tilespmem:$0x18400] =	vst v63  }
0x8e: {  	s19 =	simm.s32 $0xAC00  }
0x8f: {  	[tilespmem:s19], [sflag:$0x2] =	stream.indirect_vreg.gather [hbm4b:s2+s3], $0x80, v3, vm0, $0xb8;
	[tilespmem:$0x18400] =	vst v63  }
0x90: {  	v3 =	vld [tilespmem:$0xB0];
	_ =	sdelay $0x4  }
0x91: {  	v11 =	vshll.u32 v3, $0x1  }
0x92: {  	v3 =	vand.u32 $0x7, v3;
	v4 =	vand.u32 $0xFFFFFFF0, v11  }
0x93: {  	v3 =	vor.u32 v3, v4  }
0x94: {  	v4 =	vperm.xlane v3, v0;
	_ =	sdelay $0x1  }
0x95: {  	v3 =	vperm.xlane v3, v2;
	v4 =	vadd.s32 v1, v4;
	_ =	sdelay $0x1  }
0x96: {  	v3 =	vadd.s32 v1, v3;
	_ =	sdelay $0x1  }
0x97: {  	s1 =	simm.s32 $0xB400  }
0x98: {  	[tilespmem:s1], [sflag:$0x2] =	stream.indirect_vreg.gather [hbm4b:s2+s3], $0x80, v4, vm0, $0xb8;
	[tilespmem:$0x18400] =	vst v63  }
0x99: {  	s19 =	simm.s32 $0xBC00  }
0x9a: {  	[tilespmem:s19], [sflag:$0x2] =	stream.indirect_vreg.gather [hbm4b:s2+s3], $0x80, v3, vm0, $0xb8;
	[tilespmem:$0x18400] =	vst v63  }
0x9b: {  	v3 =	vld [tilespmem:$0xC0];
	_ =	sdelay $0x4  }
0x9c: {  	v12 =	vshll.u32 v3, $0x1  }
0x9d: {  	v3 =	vand.u32 $0x7, v3;
	v4 =	vand.u32 $0xFFFFFFF0, v12  }
0x9e: {  	v3 =	vor.u32 v3, v4  }
0x9f: {  	v4 =	vperm.xlane v3, v0;
	_ =	sdelay $0x1  }
0xa0: {  	v3 =	vperm.xlane v3, v2;
	v4 =	vadd.s32 v1, v4;
	_ =	sdelay $0x1  }
0xa1: {  	v3 =	vadd.s32 v1, v3;
	_ =	sdelay $0x1  }
0xa2: {  	s1 =	simm.s32 $0xC400  }
0xa3: {  	[tilespmem:s1], [sflag:$0x2] =	stream.indirect_vreg.gather [hbm4b:s2+s3], $0x80, v4, vm0, $0xb8;
	[tilespmem:$0x18400] =	vst v63  }
0xa4: {  	s19 =	simm.s32 $0xCC00  }
0xa5: {  	[tilespmem:s19], [sflag:$0x2] =	stream.indirect_vreg.gather [hbm4b:s2+s3], $0x80, v3, vm0, $0xb8;
	[tilespmem:$0x18400] =	vst v63  }
0xa6: {  	v3 =	vld [tilespmem:$0xD0];
	_ =	sdelay $0x4  }
0xa7: {  	v13 =	vshll.u32 v3, $0x1  }
0xa8: {  	v3 =	vand.u32 $0x7, v3;
	v4 =	vand.u32 $0xFFFFFFF0, v13  }
0xa9: {  	v3 =	vor.u32 v3, v4  }
0xaa: {  	v4 =	vperm.xlane v3, v0;
	_ =	sdelay $0x1  }
0xab: {  	v3 =	vperm.xlane v3, v2;
	v4 =	vadd.s32 v1, v4;
	_ =	sdelay $0x1  }
0xac: {  	v3 =	vadd.s32 v1, v3;
	_ =	sdelay $0x1  }
0xad: {  	s1 =	simm.s32 $0xD400  }
0xae: {  	[tilespmem:s1], [sflag:$0x2] =	stream.indirect_vreg.gather [hbm4b:s2+s3], $0x80, v4, vm0, $0xb8;
	[tilespmem:$0x18400] =	vst v63  }
0xaf: {  	s19 =	simm.s32 $0xDC00  }
0xb0: {  	[tilespmem:s19], [sflag:$0x2] =	stream.indirect_vreg.gather [hbm4b:s2+s3], $0x80, v3, vm0, $0xb8;
	[tilespmem:$0x18400] =	vst v63  }
0xb1: {  	v3 =	vld [tilespmem:$0xE0];
	_ =	sdelay $0x4  }
0xb2: {  	v14 =	vshll.u32 v3, $0x1  }
0xb3: {  	v3 =	vand.u32 $0x7, v3;
	v4 =	vand.u32 $0xFFFFFFF0, v14  }
0xb4: {  	v3 =	vor.u32 v3, v4  }
0xb5: {  	v4 =	vperm.xlane v3, v0;
	_ =	sdelay $0x1  }
0xb6: {  	v3 =	vperm.xlane v3, v2;
	v4 =	vadd.s32 v1, v4;
	_ =	sdelay $0x1  }
0xb7: {  	v3 =	vadd.s32 v1, v3;
	_ =	sdelay $0x1  }
0xb8: {  	s1 =	simm.s32 $0xE400  }
0xb9: {  	[tilespmem:s1], [sflag:$0x2] =	stream.indirect_vreg.gather [hbm4b:s2+s3], $0x80, v4, vm0, $0xb8;
	[tilespmem:$0x18400] =	vst v63  }
0xba: {  	s19 =	simm.s32 $0xEC00  }
0xbb: {  	[tilespmem:s19], [sflag:$0x2] =	stream.indirect_vreg.gather [hbm4b:s2+s3], $0x80, v3, vm0, $0xb8;
	[tilespmem:$0x18400] =	vst v63  }
0xbc: {  	v3 =	vld [tilespmem:$0xF0];
	_ =	sdelay $0x4  }
0xbd: {  	v15 =	vshll.u32 v3, $0x1  }
0xbe: {  	v3 =	vand.u32 $0x7, v3;
	v4 =	vand.u32 $0xFFFFFFF0, v15  }
0xbf: {  	v3 =	vor.u32 v3, v4  }
0xc0: {  	v4 =	vperm.xlane v3, v0;
	_ =	sdelay $0x1  }
0xc1: {  	v3 =	vperm.xlane v3, v2;
	v4 =	vadd.s32 v1, v4;
	_ =	sdelay $0x1  }
0xc2: {  	v3 =	vadd.s32 v1, v3;
	_ =	sdelay $0x1  }
0xc3: {  	s1 =	simm.s32 $0xF400  }
0xc4: {  	[tilespmem:s1], [sflag:$0x2] =	stream.indirect_vreg.gather [hbm4b:s2+s3], $0x80, v4, vm0, $0xb8;
	[tilespmem:$0x18400] =	vst v63  }
0xc5: {  	s19 =	simm.s32 $0xFC00  }
0xc6: {  	[tilespmem:s19], [sflag:$0x2] =	stream.indirect_vreg.gather [hbm4b:s2+s3], $0x80, v3, vm0, $0xb8;
	[tilespmem:$0x18400] =	vst v63  }
0xc7: {  	v3 =	vld [tilespmem:$0x100];
	_ =	sdelay $0x4  }
0xc8: {  	v16 =	vshll.u32 v3, $0x1  }
0xc9: {  	v3 =	vand.u32 $0x7, v3;
	v4 =	vand.u32 $0xFFFFFFF0, v16  }
0xca: {  	v3 =	vor.u32 v3, v4  }
0xcb: {  	v4 =	vperm.xlane v3, v0;
	_ =	sdelay $0x1  }
0xcc: {  	v3 =	vperm.xlane v3, v2;
	v4 =	vadd.s32 v1, v4;
	_ =	sdelay $0x1  }
0xcd: {  	v3 =	vadd.s32 v1, v3;
	_ =	sdelay $0x1  }
0xce: {  	s0 =	simm.s32 $0x10400  }
0xcf: {  	[tilespmem:s0], [sflag:$0x3] =	stream.indirect_vreg.gather [hbm4b:s2+s3], $0x80, v4, vm0, $0xb8;
	[tilespmem:$0x18400] =	vst v63  }
0xd0: {  	_ = 	snop  }
0xd1: {  	[tilespmem:s7], [sflag:$0x3] =	stream.indirect_vreg.gather [hbm4b:s2+s3], $0x80, v3, vm0, $0xb8;
	[tilespmem:$0x18400] =	vst v63  }
0xd2: {  	v3 =	vld [tilespmem:$0x110];
	_ =	sdelay $0x4  }
0xd3: {  	v17 =	vshll.u32 v3, $0x1  }
0xd4: {  	v3 =	vand.u32 $0x7, v3;
	v4 =	vand.u32 $0xFFFFFFF0, v17  }
0xd5: {  	v3 =	vor.u32 v3, v4  }
0xd6: {  	v4 =	vperm.xlane v3, v0;
	_ =	sdelay $0x1  }
0xd7: {  	v3 =	vperm.xlane v3, v2;
	v4 =	vadd.s32 v1, v4;
	_ =	sdelay $0x1  }
0xd8: {  	v3 =	vadd.s32 v1, v3;
	_ =	sdelay $0x2  }
0xd9: {  	[tilespmem:s10], [sflag:$0x3] =	stream.indirect_vreg.gather [hbm4b:s2+s3], $0x80, v4, vm0, $0xb8;
	[tilespmem:$0x18400] =	vst v63  }
0xda: {  	_ = 	snop  }
0xdb: {  	[tilespmem:s11], [sflag:$0x3] =	stream.indirect_vreg.gather [hbm4b:s2+s3], $0x80, v3, vm0, $0xb8;
	[tilespmem:$0x18400] =	vst v63  }
0xdc: {  	v3 =	vld [tilespmem:$0x120];
	_ =	sdelay $0x4  }
0xdd: {  	v18 =	vshll.u32 v3, $0x1  }
0xde: {  	v3 =	vand.u32 $0x7, v3;
	v4 =	vand.u32 $0xFFFFFFF0, v18  }
0xdf: {  	v3 =	vor.u32 v3, v4  }
0xe0: {  	v4 =	vperm.xlane v3, v0;
	_ =	sdelay $0x1  }
0xe1: {  	v3 =	vperm.xlane v3, v2;
	v4 =	vadd.s32 v1, v4;
	_ =	sdelay $0x1  }
0xe2: {  	v3 =	vadd.s32 v1, v3;
	_ =	sdelay $0x2  }
0xe3: {  	[tilespmem:s12], [sflag:$0x3] =	stream.indirect_vreg.gather [hbm4b:s2+s3], $0x80, v4, vm0, $0xb8;
	[tilespmem:$0x18400] =	vst v63  }
0xe4: {  	s1 =	simm.s32 $0x12C00  }
0xe5: {  	[tilespmem:s1], [sflag:$0x3] =	stream.indirect_vreg.gather [hbm4b:s2+s3], $0x80, v3, vm0, $0xb8;
	[tilespmem:$0x18400] =	vst v63  }
0xe6: {  	v3 =	vld [tilespmem:$0x130];
	_ =	sdelay $0x4  }
0xe7: {  	v19 =	vshll.u32 v3, $0x1  }
0xe8: {  	v3 =	vand.u32 $0x7, v3;
	v4 =	vand.u32 $0xFFFFFFF0, v19  }
0xe9: {  	v3 =	vor.u32 v3, v4  }
0xea: {  	v4 =	vperm.xlane v3, v0;
	_ =	sdelay $0x1  }
0xeb: {  	v3 =	vperm.xlane v3, v2;
	v4 =	vadd.s32 v1, v4;
	_ =	sdelay $0x1  }
0xec: {  	v3 =	vadd.s32 v1, v3;
	_ =	sdelay $0x2  }
0xed: {  	[tilespmem:s4], [sflag:$0x3] =	stream.indirect_vreg.gather [hbm4b:s2+s3], $0x80, v4, vm0, $0xb8;
	[tilespmem:$0x18400] =	vst v63  }
0xee: {  	_ = 	snop  }
0xef: {  	[tilespmem:s6], [sflag:$0x3] =	stream.indirect_vreg.gather [hbm4b:s2+s3], $0x80, v3, vm0, $0xb8;
	[tilespmem:$0x18400] =	vst v63  }
0xf0: {  	v3 =	vld [tilespmem:$0x140];
	_ =	sdelay $0x4  }
0xf1: {  	v20 =	vshll.u32 v3, $0x1  }
0xf2: {  	v3 =	vand.u32 $0x7, v3;
	v4 =	vand.u32 $0xFFFFFFF0, v20  }
0xf3: {  	v3 =	vor.u32 v3, v4  }
0xf4: {  	v4 =	vperm.xlane v3, v0;
	_ =	sdelay $0x1  }
0xf5: {  	v3 =	vperm.xlane v3, v2;
	v4 =	vadd.s32 v1, v4;
	_ =	sdelay $0x1  }
0xf6: {  	v3 =	vadd.s32 v1, v3;
	_ =	sdelay $0x2  }
0xf7: {  	[tilespmem:s8], [sflag:$0x3] =	stream.indirect_vreg.gather [hbm4b:s2+s3], $0x80, v4, vm0, $0xb8;
	[tilespmem:$0x18400] =	vst v63  }
0xf8: {  	_ = 	snop  }
0xf9: {  	[tilespmem:s9], [sflag:$0x3] =	stream.indirect_vreg.gather [hbm4b:s2+s3], $0x80, v3, vm0, $0xb8;
	[tilespmem:$0x18400] =	vst v63  }
0xfa: {  	v3 =	vld [tilespmem:$0x150];
	_ =	sdelay $0x4  }
0xfb: {  	v21 =	vshll.u32 v3, $0x1  }
0xfc: {  	v3 =	vand.u32 $0x7, v3;
	v4 =	vand.u32 $0xFFFFFFF0, v21  }
0xfd: {  	v3 =	vor.u32 v3, v4  }
0xfe: {  	v4 =	vperm.xlane v3, v0;
	_ =	sdelay $0x1  }
0xff: {  	v3 =	vperm.xlane v3, v2;
	v4 =	vadd.s32 v1, v4;
	_ =	sdelay $0x1  }
0x100: {  	v3 =	vadd.s32 v1, v3;
	_ =	sdelay $0x2  }
0x101: {  	[tilespmem:s20], [sflag:$0x3] =	stream.indirect_vreg.gather [hbm4b:s2+s3], $0x80, v4, vm0, $0xb8;
	[tilespmem:$0x18400] =	vst v63  }
0x102: {  	_ = 	snop  }
0x103: {  	[tilespmem:s21], [sflag:$0x3] =	stream.indirect_vreg.gather [hbm4b:s2+s3], $0x80, v3, vm0, $0xb8;
	[tilespmem:$0x18400] =	vst v63  }
0x104: {  	v3 =	vld [tilespmem:$0x160];
	_ =	sdelay $0x4  }
0x105: {  	v22 =	vshll.u32 v3, $0x1  }
0x106: {  	v3 =	vand.u32 $0x7, v3;
	v4 =	vand.u32 $0xFFFFFFF0, v22  }
0x107: {  	v3 =	vor.u32 v3, v4  }
0x108: {  	v4 =	vperm.xlane v3, v0;
	_ =	sdelay $0x1  }
0x109: {  	v3 =	vperm.xlane v3, v2;
	v4 =	vadd.s32 v1, v4;
	_ =	sdelay $0x1  }
0x10a: {  	v3 =	vadd.s32 v1, v3;
	_ =	sdelay $0x2  }
0x10b: {  	[tilespmem:s22], [sflag:$0x3] =	stream.indirect_vreg.gather [hbm4b:s2+s3], $0x80, v4, vm0, $0xb8;
	[tilespmem:$0x18400] =	vst v63  }
0x10c: {  	_ = 	snop  }
0x10d: {  	[tilespmem:s24], [sflag:$0x3] =	stream.indirect_vreg.gather [hbm4b:s2+s3], $0x80, v3, vm0, $0xb8;
	[tilespmem:$0x18400] =	vst v63  }
0x10e: {  	v3 =	vld [tilespmem:$0x170];
	_ =	sdelay $0x4  }
0x10f: {  	v23 =	vshll.u32 v3, $0x1  }
0x110: {  	v3 =	vand.u32 $0x7, v3;
	v4 =	vand.u32 $0xFFFFFFF0, v23  }
0x111: {  	v3 =	vor.u32 v3, v4  }
0x112: {  	v4 =	vperm.xlane v3, v0;
	_ =	sdelay $0x1  }
0x113: {  	v3 =	vperm.xlane v3, v2;
	v4 =	vadd.s32 v1, v4;
	_ =	sdelay $0x1  }
0x114: {  	v3 =	vadd.s32 v1, v3;
	_ =	sdelay $0x2  }
0x115: {  	[tilespmem:s25], [sflag:$0x3] =	stream.indirect_vreg.gather [hbm4b:s2+s3], $0x80, v4, vm0, $0xb8;
	[tilespmem:$0x18400] =	vst v63  }
0x116: {  	_ = 	snop  }
0x117: {  	[tilespmem:s26], [sflag:$0x3] =	stream.indirect_vreg.gather [hbm4b:s2+s3], $0x80, v3, vm0, $0xb8;
	[tilespmem:$0x18400] =	vst v63  }
0x118: {  	_ =	swait.ge [sflag:s13], $0x8000  }
0x119: {  	[sflag:s13] =	ssyncset.done $0x0  }
0x11a: {  	s19 =	rddreg [dreg:$0xb];
	[sflag:s13] =	ssyncadd.s32 $0xFFFF8000  }
0x11b: {  	[hbm4b:s19+s3] =	stream.linear.scatter [tilespmem:s28], [sflag:$0x4], $0x8000, $0x38;
	[tilespmem:$0x18400] =	vst v63  }
0x11c: {  	_ =	swait.ge [sflag:s14], $0x8000  }
0x11d: {  	[sflag:s14] =	ssyncset.done $0x0  }
0x11e: {  	[sflag:s14] =	ssyncadd.s32 $0xFFFF8000  }
0x11f: {  	v3 =	vld [tilespmem:$0x180];
	_ =	sdelay $0x4  }
0x120: {  	v24 =	vshll.u32 v3, $0x1  }
0x121: {  	v3 =	vand.u32 $0x7, v3;
	v4 =	vand.u32 $0xFFFFFFF0, v24  }
0x122: {  	v3 =	vor.u32 v3, v4  }
0x123: {  	v4 =	vperm.xlane v3, v0;
	_ =	sdelay $0x1  }
0x124: {  	v3 =	vperm.xlane v3, v2;
	v4 =	vadd.s32 v1, v4;
	_ =	sdelay $0x1  }
0x125: {  	v3 =	vadd.s32 v1, v3;
	_ =	sdelay $0x2  }
0x126: {  	[tilespmem:s28], [sflag:$0x1] =	stream.indirect_vreg.gather [hbm4b:s2+s3], $0x80, v4, vm0, $0xb8;
	[tilespmem:$0x18400] =	vst v63  }
0x127: {  	s19 =	simm.s32 $0xC00  }
0x128: {  	[tilespmem:s19], [sflag:$0x1] =	stream.indirect_vreg.gather [hbm4b:s2+s3], $0x80, v3, vm0, $0xb8;
	[tilespmem:$0x18400] =	vst v63  }
0x129: {  	v3 =	vld [tilespmem:$0x190];
	_ =	sdelay $0x4  }
0x12a: {  	v25 =	vshll.u32 v3, $0x1  }
0x12b: {  	v3 =	vand.u32 $0x7, v3;
	v4 =	vand.u32 $0xFFFFFFF0, v25  }
0x12c: {  	v3 =	vor.u32 v3, v4  }
0x12d: {  	v4 =	vperm.xlane v3, v0;
	_ =	sdelay $0x1  }
0x12e: {  	v3 =	vperm.xlane v3, v2;
	v4 =	vadd.s32 v1, v4;
	_ =	sdelay $0x1  }
0x12f: {  	v3 =	vadd.s32 v1, v3;
	_ =	sdelay $0x1  }
0x130: {  	s19 =	simm.s32 $0x1400  }
0x131: {  	[tilespmem:s19], [sflag:$0x1] =	stream.indirect_vreg.gather [hbm4b:s2+s3], $0x80, v4, vm0, $0xb8;
	[tilespmem:$0x18400] =	vst v63  }
0x132: {  	s19 =	simm.s32 $0x1C00  }
0x133: {  	[tilespmem:s19], [sflag:$0x1] =	stream.indirect_vreg.gather [hbm4b:s2+s3], $0x80, v3, vm0, $0xb8;
	[tilespmem:$0x18400] =	vst v63  }
0x134: {  	v3 =	vld [tilespmem:$0x1A0];
	_ =	sdelay $0x4  }
0x135: {  	v26 =	vshll.u32 v3, $0x1  }
0x136: {  	v3 =	vand.u32 $0x7, v3;
	v4 =	vand.u32 $0xFFFFFFF0, v26  }
0x137: {  	v3 =	vor.u32 v3, v4  }
0x138: {  	v4 =	vperm.xlane v3, v0;
	_ =	sdelay $0x1  }
0x139: {  	v3 =	vperm.xlane v3, v2;
	v4 =	vadd.s32 v1, v4;
	_ =	sdelay $0x1  }
0x13a: {  	v3 =	vadd.s32 v1, v3;
	_ =	sdelay $0x1  }
0x13b: {  	s19 =	simm.s32 $0x2400  }
0x13c: {  	[tilespmem:s19], [sflag:$0x1] =	stream.indirect_vreg.gather [hbm4b:s2+s3], $0x80, v4, vm0, $0xb8;
	[tilespmem:$0x18400] =	vst v63  }
0x13d: {  	s19 =	simm.s32 $0x2C00  }
0x13e: {  	[tilespmem:s19], [sflag:$0x1] =	stream.indirect_vreg.gather [hbm4b:s2+s3], $0x80, v3, vm0, $0xb8;
	[tilespmem:$0x18400] =	vst v63  }
0x13f: {  	v3 =	vld [tilespmem:$0x1B0];
	_ =	sdelay $0x4  }
0x140: {  	v27 =	vshll.u32 v3, $0x1  }
0x141: {  	v3 =	vand.u32 $0x7, v3;
	v4 =	vand.u32 $0xFFFFFFF0, v27  }
0x142: {  	v3 =	vor.u32 v3, v4  }
0x143: {  	v4 =	vperm.xlane v3, v0;
	_ =	sdelay $0x1  }
0x144: {  	v3 =	vperm.xlane v3, v2;
	v4 =	vadd.s32 v1, v4;
	_ =	sdelay $0x1  }
0x145: {  	v3 =	vadd.s32 v1, v3;
	_ =	sdelay $0x1  }
0x146: {  	s19 =	simm.s32 $0x3400  }
0x147: {  	[tilespmem:s19], [sflag:$0x1] =	stream.indirect_vreg.gather [hbm4b:s2+s3], $0x80, v4, vm0, $0xb8;
	[tilespmem:$0x18400] =	vst v63  }
0x148: {  	s19 =	simm.s32 $0x3C00  }
0x149: {  	[tilespmem:s19], [sflag:$0x1] =	stream.indirect_vreg.gather [hbm4b:s2+s3], $0x80, v3, vm0, $0xb8;
	[tilespmem:$0x18400] =	vst v63  }
0x14a: {  	v3 =	vld [tilespmem:$0x1C0];
	_ =	sdelay $0x4  }
0x14b: {  	v28 =	vshll.u32 v3, $0x1  }
0x14c: {  	v3 =	vand.u32 $0x7, v3;
	v4 =	vand.u32 $0xFFFFFFF0, v28  }
0x14d: {  	v3 =	vor.u32 v3, v4  }
0x14e: {  	v4 =	vperm.xlane v3, v0;
	_ =	sdelay $0x1  }
0x14f: {  	v3 =	vperm.xlane v3, v2;
	v4 =	vadd.s32 v1, v4;
	_ =	sdelay $0x1  }
0x150: {  	v3 =	vadd.s32 v1, v3;
	_ =	sdelay $0x2  }
0x151: {  	[tilespmem:s29], [sflag:$0x1] =	stream.indirect_vreg.gather [hbm4b:s2+s3], $0x80, v4, vm0, $0xb8;
	[tilespmem:$0x18400] =	vst v63  }
0x152: {  	_ = 	snop  }
0x153: {  	[tilespmem:s30], [sflag:$0x1] =	stream.indirect_vreg.gather [hbm4b:s2+s3], $0x80, v3, vm0, $0xb8;
	[tilespmem:$0x18400] =	vst v63  }
0x154: {  	v3 =	vld [tilespmem:$0x1D0];
	_ =	sdelay $0x4  }
0x155: {  	v29 =	vshll.u32 v3, $0x1  }
0x156: {  	v3 =	vand.u32 $0x7, v3;
	v4 =	vand.u32 $0xFFFFFFF0, v29  }
0x157: {  	v3 =	vor.u32 v3, v4  }
0x158: {  	v4 =	vperm.xlane v3, v0;
	_ =	sdelay $0x1  }
0x159: {  	v3 =	vperm.xlane v3, v2;
	v4 =	vadd.s32 v1, v4;
	_ =	sdelay $0x1  }
0x15a: {  	v3 =	vadd.s32 v1, v3;
	_ =	sdelay $0x2  }
0x15b: {  	[tilespmem:s31], [sflag:$0x1] =	stream.indirect_vreg.gather [hbm4b:s2+s3], $0x80, v4, vm0, $0xb8;
	[tilespmem:$0x18400] =	vst v63  }
0x15c: {  	s19 =	simm.s32 $0x5C00  }
0x15d: {  	[tilespmem:s19], [sflag:$0x1] =	stream.indirect_vreg.gather [hbm4b:s2+s3], $0x80, v3, vm0, $0xb8;
	[tilespmem:$0x18400] =	vst v63  }
0x15e: {  	v3 =	vld [tilespmem:$0x1E0];
	_ =	sdelay $0x4  }
0x15f: {  	v30 =	vshll.u32 v3, $0x1  }
0x160: {  	v3 =	vand.u32 $0x7, v3;
	v4 =	vand.u32 $0xFFFFFFF0, v30  }
0x161: {  	v3 =	vor.u32 v3, v4  }
0x162: {  	v4 =	vperm.xlane v3, v0;
	_ =	sdelay $0x1  }
0x163: {  	v3 =	vperm.xlane v3, v2;
	v4 =	vadd.s32 v1, v4;
	_ =	sdelay $0x1  }
0x164: {  	v3 =	vadd.s32 v1, v3;
	_ =	sdelay $0x1  }
0x165: {  	s19 =	simm.s32 $0x6400  }
0x166: {  	[tilespmem:s19], [sflag:$0x1] =	stream.indirect_vreg.gather [hbm4b:s2+s3], $0x80, v4, vm0, $0xb8;
	[tilespmem:$0x18400] =	vst v63  }
0x167: {  	s19 =	simm.s32 $0x6C00  }
0x168: {  	[tilespmem:s19], [sflag:$0x1] =	stream.indirect_vreg.gather [hbm4b:s2+s3], $0x80, v3, vm0, $0xb8;
	[tilespmem:$0x18400] =	vst v63  }
0x169: {  	v3 =	vld [tilespmem:$0x1F0];
	_ =	sdelay $0x4  }
0x16a: {  	v31 =	vshll.u32 v3, $0x1  }
0x16b: {  	v3 =	vand.u32 $0x7, v3;
	v4 =	vand.u32 $0xFFFFFFF0, v31  }
0x16c: {  	v3 =	vor.u32 v3, v4  }
0x16d: {  	v4 =	vperm.xlane v3, v0;
	_ =	sdelay $0x1  }
0x16e: {  	v3 =	vperm.xlane v3, v2;
	v4 =	vadd.s32 v1, v4;
	_ =	sdelay $0x1  }
0x16f: {  	v3 =	vadd.s32 v1, v3;
	_ =	sdelay $0x1  }
0x170: {  	s19 =	simm.s32 $0x7400  }
0x171: {  	[tilespmem:s19], [sflag:$0x1] =	stream.indirect_vreg.gather [hbm4b:s2+s3], $0x80, v4, vm0, $0xb8;
	[tilespmem:$0x18400] =	vst v63  }
0x172: {  	s19 =	simm.s32 $0x7C00  }
0x173: {  	[tilespmem:s19], [sflag:$0x1] =	stream.indirect_vreg.gather [hbm4b:s2+s3], $0x80, v3, vm0, $0xb8;
	[tilespmem:$0x18400] =	vst v63  }
0x174: {  	_ =	swait.ge [sflag:s15], $0x8000  }
0x175: {  	[sflag:s15] =	ssyncset.done $0x0  }
0x176: {  	s19 =	rddreg [dreg:$0x4];
	[sflag:s15] =	ssyncadd.s32 $0xFFFF8000  }
0x177: {  	[hbm4b:s19+s3] =	stream.linear.scatter [tilespmem:s23], [sflag:$0x5], $0x8000, $0x38;
	[tilespmem:$0x18400] =	vst v63  }
0x178: {  	_ =	swait.ge [sflag:s16], $0x8000  }
0x179: {  	[sflag:s16] =	ssyncset.done $0x0  }
0x17a: {  	[sflag:s16] =	ssyncadd.s32 $0xFFFF8000  }
0x17b: {  	v3 =	vld [tilespmem:$0x200];
	_ =	sdelay $0x4  }
0x17c: {  	v32 =	vshll.u32 v3, $0x1  }
0x17d: {  	v3 =	vand.u32 $0x7, v3;
	v4 =	vand.u32 $0xFFFFFFF0, v32  }
0x17e: {  	v3 =	vor.u32 v3, v4  }
0x17f: {  	v4 =	vperm.xlane v3, v0;
	_ =	sdelay $0x1  }
0x180: {  	v3 =	vperm.xlane v3, v2;
	v4 =	vadd.s32 v1, v4;
	_ =	sdelay $0x1  }
0x181: {  	v3 =	vadd.s32 v1, v3;
	_ =	sdelay $0x2  }
0x182: {  	[tilespmem:s23], [sflag:$0x2] =	stream.indirect_vreg.gather [hbm4b:s2+s3], $0x80, v4, vm0, $0xb8;
	[tilespmem:$0x18400] =	vst v63  }
0x183: {  	s19 =	simm.s32 $0x8C00  }
0x184: {  	[tilespmem:s19], [sflag:$0x2] =	stream.indirect_vreg.gather [hbm4b:s2+s3], $0x80, v3, vm0, $0xb8;
	[tilespmem:$0x18400] =	vst v63  }
0x185: {  	v3 =	vld [tilespmem:$0x210];
	_ =	sdelay $0x4  }
0x186: {  	v33 =	vshll.u32 v3, $0x1  }
0x187: {  	v3 =	vand.u32 $0x7, v3;
	v4 =	vand.u32 $0xFFFFFFF0, v33  }
0x188: {  	v3 =	vor.u32 v3, v4  }
0x189: {  	v4 =	vperm.xlane v3, v0;
	_ =	sdelay $0x1  }
0x18a: {  	v3 =	vperm.xlane v3, v2;
	v4 =	vadd.s32 v1, v4;
	_ =	sdelay $0x1  }
0x18b: {  	v3 =	vadd.s32 v1, v3;
	_ =	sdelay $0x1  }
0x18c: {  	s19 =	simm.s32 $0x9400  }
0x18d: {  	[tilespmem:s19], [sflag:$0x2] =	stream.indirect_vreg.gather [hbm4b:s2+s3], $0x80, v4, vm0, $0xb8;
	[tilespmem:$0x18400] =	vst v63  }
0x18e: {  	s19 =	simm.s32 $0x9C00  }
0x18f: {  	[tilespmem:s19], [sflag:$0x2] =	stream.indirect_vreg.gather [hbm4b:s2+s3], $0x80, v3, vm0, $0xb8;
	[tilespmem:$0x18400] =	vst v63  }
0x190: {  	v3 =	vld [tilespmem:$0x220];
	_ =	sdelay $0x4  }
0x191: {  	v34 =	vshll.u32 v3, $0x1  }
0x192: {  	v3 =	vand.u32 $0x7, v3;
	v4 =	vand.u32 $0xFFFFFFF0, v34  }
0x193: {  	v3 =	vor.u32 v3, v4  }
0x194: {  	v4 =	vperm.xlane v3, v0;
	_ =	sdelay $0x1  }
0x195: {  	v3 =	vperm.xlane v3, v2;
	v4 =	vadd.s32 v1, v4;
	_ =	sdelay $0x1  }
0x196: {  	v3 =	vadd.s32 v1, v3;
	_ =	sdelay $0x1  }
0x197: {  	s19 =	simm.s32 $0xA400  }
0x198: {  	[tilespmem:s19], [sflag:$0x2] =	stream.indirect_vreg.gather [hbm4b:s2+s3], $0x80, v4, vm0, $0xb8;
	[tilespmem:$0x18400] =	vst v63  }
0x199: {  	s19 =	simm.s32 $0xAC00  }
0x19a: {  	[tilespmem:s19], [sflag:$0x2] =	stream.indirect_vreg.gather [hbm4b:s2+s3], $0x80, v3, vm0, $0xb8;
	[tilespmem:$0x18400] =	vst v63  }
0x19b: {  	v3 =	vld [tilespmem:$0x230];
	_ =	sdelay $0x4  }
0x19c: {  	v35 =	vshll.u32 v3, $0x1  }
0x19d: {  	v3 =	vand.u32 $0x7, v3;
	v4 =	vand.u32 $0xFFFFFFF0, v35  }
0x19e: {  	v3 =	vor.u32 v3, v4  }
0x19f: {  	v4 =	vperm.xlane v3, v0;
	_ =	sdelay $0x1  }
0x1a0: {  	v3 =	vperm.xlane v3, v2;
	v4 =	vadd.s32 v1, v4;
	_ =	sdelay $0x1  }
0x1a1: {  	v3 =	vadd.s32 v1, v3;
	_ =	sdelay $0x1  }
0x1a2: {  	s19 =	simm.s32 $0xB400  }
0x1a3: {  	[tilespmem:s19], [sflag:$0x2] =	stream.indirect_vreg.gather [hbm4b:s2+s3], $0x80, v4, vm0, $0xb8;
	[tilespmem:$0x18400] =	vst v63  }
0x1a4: {  	s19 =	simm.s32 $0xBC00  }
0x1a5: {  	[tilespmem:s19], [sflag:$0x2] =	stream.indirect_vreg.gather [hbm4b:s2+s3], $0x80, v3, vm0, $0xb8;
	[tilespmem:$0x18400] =	vst v63  }
0x1a6: {  	v3 =	vld [tilespmem:$0x240];
	_ =	sdelay $0x4  }
0x1a7: {  	v36 =	vshll.u32 v3, $0x1  }
0x1a8: {  	v3 =	vand.u32 $0x7, v3;
	v4 =	vand.u32 $0xFFFFFFF0, v36  }
0x1a9: {  	v3 =	vor.u32 v3, v4  }
0x1aa: {  	v4 =	vperm.xlane v3, v0;
	_ =	sdelay $0x1  }
0x1ab: {  	v3 =	vperm.xlane v3, v2;
	v4 =	vadd.s32 v1, v4;
	_ =	sdelay $0x1  }
0x1ac: {  	v3 =	vadd.s32 v1, v3;
	_ =	sdelay $0x1  }
0x1ad: {  	s19 =	simm.s32 $0xC400  }
0x1ae: {  	[tilespmem:s19], [sflag:$0x2] =	stream.indirect_vreg.gather [hbm4b:s2+s3], $0x80, v4, vm0, $0xb8;
	[tilespmem:$0x18400] =	vst v63  }
0x1af: {  	s19 =	simm.s32 $0xCC00  }
0x1b0: {  	[tilespmem:s19], [sflag:$0x2] =	stream.indirect_vreg.gather [hbm4b:s2+s3], $0x80, v3, vm0, $0xb8;
	[tilespmem:$0x18400] =	vst v63  }
0x1b1: {  	v3 =	vld [tilespmem:$0x250];
	_ =	sdelay $0x4  }
0x1b2: {  	v37 =	vshll.u32 v3, $0x1  }
0x1b3: {  	v3 =	vand.u32 $0x7, v3;
	v4 =	vand.u32 $0xFFFFFFF0, v37  }
0x1b4: {  	v3 =	vor.u32 v3, v4  }
0x1b5: {  	v4 =	vperm.xlane v3, v0;
	_ =	sdelay $0x1  }
0x1b6: {  	v3 =	vperm.xlane v3, v2;
	v4 =	vadd.s32 v1, v4;
	_ =	sdelay $0x1  }
0x1b7: {  	v3 =	vadd.s32 v1, v3;
	_ =	sdelay $0x1  }
0x1b8: {  	s19 =	simm.s32 $0xD400  }
0x1b9: {  	[tilespmem:s19], [sflag:$0x2] =	stream.indirect_vreg.gather [hbm4b:s2+s3], $0x80, v4, vm0, $0xb8;
	[tilespmem:$0x18400] =	vst v63  }
0x1ba: {  	s19 =	simm.s32 $0xDC00  }
0x1bb: {  	[tilespmem:s19], [sflag:$0x2] =	stream.indirect_vreg.gather [hbm4b:s2+s3], $0x80, v3, vm0, $0xb8;
	[tilespmem:$0x18400] =	vst v63  }
0x1bc: {  	v3 =	vld [tilespmem:$0x260];
	_ =	sdelay $0x4  }
0x1bd: {  	v38 =	vshll.u32 v3, $0x1  }
0x1be: {  	v3 =	vand.u32 $0x7, v3;
	v4 =	vand.u32 $0xFFFFFFF0, v38  }
0x1bf: {  	v3 =	vor.u32 v3, v4  }
0x1c0: {  	v4 =	vperm.xlane v3, v0;
	_ =	sdelay $0x1  }
0x1c1: {  	v3 =	vperm.xlane v3, v2;
	v4 =	vadd.s32 v1, v4;
	_ =	sdelay $0x1  }
0x1c2: {  	v3 =	vadd.s32 v1, v3;
	_ =	sdelay $0x1  }
0x1c3: {  	s19 =	simm.s32 $0xE400  }
0x1c4: {  	[tilespmem:s19], [sflag:$0x2] =	stream.indirect_vreg.gather [hbm4b:s2+s3], $0x80, v4, vm0, $0xb8;
	[tilespmem:$0x18400] =	vst v63  }
0x1c5: {  	s19 =	simm.s32 $0xEC00  }
0x1c6: {  	[tilespmem:s19], [sflag:$0x2] =	stream.indirect_vreg.gather [hbm4b:s2+s3], $0x80, v3, vm0, $0xb8;
	[tilespmem:$0x18400] =	vst v63  }
0x1c7: {  	v3 =	vld [tilespmem:$0x270];
	_ =	sdelay $0x4  }
0x1c8: {  	v39 =	vshll.u32 v3, $0x1  }
0x1c9: {  	v3 =	vand.u32 $0x7, v3;
	v4 =	vand.u32 $0xFFFFFFF0, v39  }
0x1ca: {  	v3 =	vor.u32 v3, v4  }
0x1cb: {  	v4 =	vperm.xlane v3, v0;
	_ =	sdelay $0x1  }
0x1cc: {  	v3 =	vperm.xlane v3, v2;
	v4 =	vadd.s32 v1, v4;
	_ =	sdelay $0x1  }
0x1cd: {  	v3 =	vadd.s32 v1, v3;
	_ =	sdelay $0x1  }
0x1ce: {  	s19 =	simm.s32 $0xF400  }
0x1cf: {  	[tilespmem:s19], [sflag:$0x2] =	stream.indirect_vreg.gather [hbm4b:s2+s3], $0x80, v4, vm0, $0xb8;
	[tilespmem:$0x18400] =	vst v63  }
0x1d0: {  	s19 =	simm.s32 $0xFC00  }
0x1d1: {  	[tilespmem:s19], [sflag:$0x2] =	stream.indirect_vreg.gather [hbm4b:s2+s3], $0x80, v3, vm0, $0xb8;
	[tilespmem:$0x18400] =	vst v63  }
0x1d2: {  	_ =	swait.ge [sflag:s17], $0x8000  }
0x1d3: {  	[sflag:s17] =	ssyncset.done $0x0  }
0x1d4: {  	s19 =	rddreg [dreg:$0x5];
	[sflag:s17] =	ssyncadd.s32 $0xFFFF8000  }
0x1d5: {  	[hbm4b:s19+s3] =	stream.linear.scatter [tilespmem:s0], [sflag:$0x6], $0x8000, $0x38;
	[tilespmem:$0x18400] =	vst v63  }
0x1d6: {  	_ =	swait.ge [sflag:s18], $0x8000  }
0x1d7: {  	[sflag:s18] =	ssyncset.done $0x0  }
0x1d8: {  	[sflag:s18] =	ssyncadd.s32 $0xFFFF8000  }
0x1d9: {  	v3 =	vld [tilespmem:$0x280];
	_ =	sdelay $0x4  }
0x1da: {  	v40 =	vshll.u32 v3, $0x1  }
0x1db: {  	v3 =	vand.u32 $0x7, v3;
	v4 =	vand.u32 $0xFFFFFFF0, v40  }
0x1dc: {  	v3 =	vor.u32 v3, v4  }
0x1dd: {  	v4 =	vperm.xlane v3, v0;
	_ =	sdelay $0x1  }
0x1de: {  	v3 =	vperm.xlane v3, v2;
	v4 =	vadd.s32 v1, v4;
	_ =	sdelay $0x1  }
0x1df: {  	v3 =	vadd.s32 v1, v3;
	_ =	sdelay $0x2  }
0x1e0: {  	[tilespmem:s0], [sflag:$0x3] =	stream.indirect_vreg.gather [hbm4b:s2+s3], $0x80, v4, vm0, $0xb8;
	[tilespmem:$0x18400] =	vst v63  }
0x1e1: {  	_ = 	snop  }
0x1e2: {  	[tilespmem:s7], [sflag:$0x3] =	stream.indirect_vreg.gather [hbm4b:s2+s3], $0x80, v3, vm0, $0xb8;
	[tilespmem:$0x18400] =	vst v63  }
0x1e3: {  	v3 =	vld [tilespmem:$0x290];
	_ =	sdelay $0x4  }
0x1e4: {  	v41 =	vshll.u32 v3, $0x1  }
0x1e5: {  	v3 =	vand.u32 $0x7, v3;
	v4 =	vand.u32 $0xFFFFFFF0, v41  }
0x1e6: {  	v3 =	vor.u32 v3, v4  }
0x1e7: {  	v4 =	vperm.xlane v3, v0;
	_ =	sdelay $0x1  }
0x1e8: {  	v3 =	vperm.xlane v3, v2;
	v4 =	vadd.s32 v1, v4;
	_ =	sdelay $0x1  }
0x1e9: {  	v3 =	vadd.s32 v1, v3;
	_ =	sdelay $0x2  }
0x1ea: {  	[tilespmem:s10], [sflag:$0x3] =	stream.indirect_vreg.gather [hbm4b:s2+s3], $0x80, v4, vm0, $0xb8;
	[tilespmem:$0x18400] =	vst v63  }
0x1eb: {  	_ = 	snop  }
0x1ec: {  	[tilespmem:s11], [sflag:$0x3] =	stream.indirect_vreg.gather [hbm4b:s2+s3], $0x80, v3, vm0, $0xb8;
	[tilespmem:$0x18400] =	vst v63  }
0x1ed: {  	v3 =	vld [tilespmem:$0x2A0];
	_ =	sdelay $0x4  }
0x1ee: {  	v42 =	vshll.u32 v3, $0x1  }
0x1ef: {  	v3 =	vand.u32 $0x7, v3;
	v4 =	vand.u32 $0xFFFFFFF0, v42  }
0x1f0: {  	v3 =	vor.u32 v3, v4  }
0x1f1: {  	v4 =	vperm.xlane v3, v0;
	_ =	sdelay $0x1  }
0x1f2: {  	v3 =	vperm.xlane v3, v2;
	v4 =	vadd.s32 v1, v4;
	_ =	sdelay $0x1  }
0x1f3: {  	v3 =	vadd.s32 v1, v3;
	_ =	sdelay $0x2  }
0x1f4: {  	[tilespmem:s12], [sflag:$0x3] =	stream.indirect_vreg.gather [hbm4b:s2+s3], $0x80, v4, vm0, $0xb8;
	[tilespmem:$0x18400] =	vst v63  }
0x1f5: {  	_ = 	snop  }
0x1f6: {  	[tilespmem:s1], [sflag:$0x3] =	stream.indirect_vreg.gather [hbm4b:s2+s3], $0x80, v3, vm0, $0xb8;
	[tilespmem:$0x18400] =	vst v63  }
0x1f7: {  	v3 =	vld [tilespmem:$0x2B0];
	_ =	sdelay $0x4  }
0x1f8: {  	v43 =	vshll.u32 v3, $0x1  }
0x1f9: {  	v3 =	vand.u32 $0x7, v3;
	v4 =	vand.u32 $0xFFFFFFF0, v43  }
0x1fa: {  	v3 =	vor.u32 v3, v4  }
0x1fb: {  	v4 =	vperm.xlane v3, v0;
	_ =	sdelay $0x1  }
0x1fc: {  	v3 =	vperm.xlane v3, v2;
	v4 =	vadd.s32 v1, v4;
	_ =	sdelay $0x1  }
0x1fd: {  	v3 =	vadd.s32 v1, v3;
	_ =	sdelay $0x2  }
0x1fe: {  	[tilespmem:s4], [sflag:$0x3] =	stream.indirect_vreg.gather [hbm4b:s2+s3], $0x80, v4, vm0, $0xb8;
	[tilespmem:$0x18400] =	vst v63  }
0x1ff: {  	_ = 	snop  }
0x200: {  	[tilespmem:s6], [sflag:$0x3] =	stream.indirect_vreg.gather [hbm4b:s2+s3], $0x80, v3, vm0, $0xb8;
	[tilespmem:$0x18400] =	vst v63  }
0x201: {  	v3 =	vld [tilespmem:$0x2C0];
	_ =	sdelay $0x4  }
0x202: {  	v44 =	vshll.u32 v3, $0x1  }
0x203: {  	v3 =	vand.u32 $0x7, v3;
	v4 =	vand.u32 $0xFFFFFFF0, v44  }
0x204: {  	v3 =	vor.u32 v3, v4  }
0x205: {  	v4 =	vperm.xlane v3, v0;
	_ =	sdelay $0x1  }
0x206: {  	v3 =	vperm.xlane v3, v2;
	v4 =	vadd.s32 v1, v4;
	_ =	sdelay $0x1  }
0x207: {  	v3 =	vadd.s32 v1, v3;
	_ =	sdelay $0x2  }
0x208: {  	[tilespmem:s8], [sflag:$0x3] =	stream.indirect_vreg.gather [hbm4b:s2+s3], $0x80, v4, vm0, $0xb8;
	[tilespmem:$0x18400] =	vst v63  }
0x209: {  	_ = 	snop  }
0x20a: {  	[tilespmem:s9], [sflag:$0x3] =	stream.indirect_vreg.gather [hbm4b:s2+s3], $0x80, v3, vm0, $0xb8;
	[tilespmem:$0x18400] =	vst v63  }
0x20b: {  	v3 =	vld [tilespmem:$0x2D0];
	_ =	sdelay $0x4  }
0x20c: {  	v45 =	vshll.u32 v3, $0x1  }
0x20d: {  	v3 =	vand.u32 $0x7, v3;
	v4 =	vand.u32 $0xFFFFFFF0, v45  }
0x20e: {  	v3 =	vor.u32 v3, v4  }
0x20f: {  	v4 =	vperm.xlane v3, v0;
	_ =	sdelay $0x1  }
0x210: {  	v3 =	vperm.xlane v3, v2;
	v4 =	vadd.s32 v1, v4;
	_ =	sdelay $0x1  }
0x211: {  	v3 =	vadd.s32 v1, v3;
	_ =	sdelay $0x2  }
0x212: {  	[tilespmem:s20], [sflag:$0x3] =	stream.indirect_vreg.gather [hbm4b:s2+s3], $0x80, v4, vm0, $0xb8;
	[tilespmem:$0x18400] =	vst v63  }
0x213: {  	_ = 	snop  }
0x214: {  	[tilespmem:s21], [sflag:$0x3] =	stream.indirect_vreg.gather [hbm4b:s2+s3], $0x80, v3, vm0, $0xb8;
	[tilespmem:$0x18400] =	vst v63  }
0x215: {  	v3 =	vld [tilespmem:$0x2E0];
	_ =	sdelay $0x4  }
0x216: {  	v46 =	vshll.u32 v3, $0x1  }
0x217: {  	v3 =	vand.u32 $0x7, v3;
	v4 =	vand.u32 $0xFFFFFFF0, v46  }
0x218: {  	v3 =	vor.u32 v3, v4  }
0x219: {  	v4 =	vperm.xlane v3, v0;
	_ =	sdelay $0x1  }
0x21a: {  	v3 =	vperm.xlane v3, v2;
	v4 =	vadd.s32 v1, v4;
	_ =	sdelay $0x1  }
0x21b: {  	v3 =	vadd.s32 v1, v3;
	_ =	sdelay $0x2  }
0x21c: {  	[tilespmem:s22], [sflag:$0x3] =	stream.indirect_vreg.gather [hbm4b:s2+s3], $0x80, v4, vm0, $0xb8;
	[tilespmem:$0x18400] =	vst v63  }
0x21d: {  	_ = 	snop  }
0x21e: {  	[tilespmem:s24], [sflag:$0x3] =	stream.indirect_vreg.gather [hbm4b:s2+s3], $0x80, v3, vm0, $0xb8;
	[tilespmem:$0x18400] =	vst v63  }
0x21f: {  	v3 =	vld [tilespmem:$0x2F0];
	_ =	sdelay $0x4  }
0x220: {  	v47 =	vshll.u32 v3, $0x1  }
0x221: {  	v3 =	vand.u32 $0x7, v3;
	v4 =	vand.u32 $0xFFFFFFF0, v47  }
0x222: {  	v3 =	vor.u32 v3, v4  }
0x223: {  	v4 =	vperm.xlane v3, v0;
	_ =	sdelay $0x1  }
0x224: {  	v3 =	vperm.xlane v3, v2;
	v4 =	vadd.s32 v1, v4;
	_ =	sdelay $0x1  }
0x225: {  	v3 =	vadd.s32 v1, v3;
	_ =	sdelay $0x2  }
0x226: {  	[tilespmem:s25], [sflag:$0x3] =	stream.indirect_vreg.gather [hbm4b:s2+s3], $0x80, v4, vm0, $0xb8;
	[tilespmem:$0x18400] =	vst v63  }
0x227: {  	_ = 	snop  }
0x228: {  	[tilespmem:s26], [sflag:$0x3] =	stream.indirect_vreg.gather [hbm4b:s2+s3], $0x80, v3, vm0, $0xb8;
	[tilespmem:$0x18400] =	vst v63  }
0x229: {  	_ =	swait.ge [sflag:s13], $0x8000  }
0x22a: {  	[sflag:s13] =	ssyncset.done $0x0  }
0x22b: {  	s1 =	rddreg [dreg:$0x6];
	[sflag:s13] =	ssyncadd.s32 $0xFFFF8000  }
0x22c: {  	[hbm4b:s1+s3] =	stream.linear.scatter [tilespmem:s28], [sflag:$0x4], $0x8000, $0x38;
	[tilespmem:$0x18400] =	vst v63  }
0x22d: {  	_ =	swait.ge [sflag:s14], $0x8000  }
0x22e: {  	[sflag:s14] =	ssyncset.done $0x0  }
0x22f: {  	[sflag:s14] =	ssyncadd.s32 $0xFFFF8000  }
0x230: {  	v3 =	vld [tilespmem:$0x300];
	_ =	sdelay $0x4  }
0x231: {  	v48 =	vshll.u32 v3, $0x1  }
0x232: {  	v3 =	vand.u32 $0x7, v3;
	v4 =	vand.u32 $0xFFFFFFF0, v48  }
0x233: {  	v3 =	vor.u32 v3, v4  }
0x234: {  	v4 =	vperm.xlane v3, v0;
	_ =	sdelay $0x1  }
0x235: {  	v3 =	vperm.xlane v3, v2;
	v4 =	vadd.s32 v1, v4;
	_ =	sdelay $0x1  }
0x236: {  	v3 =	vadd.s32 v1, v3;
	_ =	sdelay $0x2  }
0x237: {  	[tilespmem:s28], [sflag:$0x1] =	stream.indirect_vreg.gather [hbm4b:s2+s3], $0x80, v4, vm0, $0xb8;
	[tilespmem:$0x18400] =	vst v63  }
0x238: {  	s19 =	simm.s32 $0xC00  }
0x239: {  	[tilespmem:s19], [sflag:$0x1] =	stream.indirect_vreg.gather [hbm4b:s2+s3], $0x80, v3, vm0, $0xb8;
	[tilespmem:$0x18400] =	vst v63  }
0x23a: {  	v3 =	vld [tilespmem:$0x310];
	_ =	sdelay $0x4  }
0x23b: {  	v49 =	vshll.u32 v3, $0x1  }
0x23c: {  	v3 =	vand.u32 $0x7, v3;
	v4 =	vand.u32 $0xFFFFFFF0, v49  }
0x23d: {  	v3 =	vor.u32 v3, v4  }
0x23e: {  	v4 =	vperm.xlane v3, v0;
	_ =	sdelay $0x1  }
0x23f: {  	v3 =	vperm.xlane v3, v2;
	v4 =	vadd.s32 v1, v4;
	_ =	sdelay $0x1  }
0x240: {  	v3 =	vadd.s32 v1, v3;
	_ =	sdelay $0x1  }
0x241: {  	s19 =	simm.s32 $0x1400  }
0x242: {  	[tilespmem:s19], [sflag:$0x1] =	stream.indirect_vreg.gather [hbm4b:s2+s3], $0x80, v4, vm0, $0xb8;
	[tilespmem:$0x18400] =	vst v63  }
0x243: {  	s19 =	simm.s32 $0x1C00  }
0x244: {  	[tilespmem:s19], [sflag:$0x1] =	stream.indirect_vreg.gather [hbm4b:s2+s3], $0x80, v3, vm0, $0xb8;
	[tilespmem:$0x18400] =	vst v63  }
0x245: {  	v3 =	vld [tilespmem:$0x320];
	_ =	sdelay $0x4  }
0x246: {  	v50 =	vshll.u32 v3, $0x1  }
0x247: {  	v3 =	vand.u32 $0x7, v3;
	v4 =	vand.u32 $0xFFFFFFF0, v50  }
0x248: {  	v3 =	vor.u32 v3, v4  }
0x249: {  	v4 =	vperm.xlane v3, v0;
	_ =	sdelay $0x1  }
0x24a: {  	v3 =	vperm.xlane v3, v2;
	v4 =	vadd.s32 v1, v4;
	_ =	sdelay $0x1  }
0x24b: {  	v3 =	vadd.s32 v1, v3;
	_ =	sdelay $0x1  }
0x24c: {  	s19 =	simm.s32 $0x2400  }
0x24d: {  	[tilespmem:s19], [sflag:$0x1] =	stream.indirect_vreg.gather [hbm4b:s2+s3], $0x80, v4, vm0, $0xb8;
	[tilespmem:$0x18400] =	vst v63  }
0x24e: {  	s19 =	simm.s32 $0x2C00  }
0x24f: {  	[tilespmem:s19], [sflag:$0x1] =	stream.indirect_vreg.gather [hbm4b:s2+s3], $0x80, v3, vm0, $0xb8;
	[tilespmem:$0x18400] =	vst v63  }
0x250: {  	v3 =	vld [tilespmem:$0x330];
	_ =	sdelay $0x4  }
0x251: {  	v51 =	vshll.u32 v3, $0x1  }
0x252: {  	v3 =	vand.u32 $0x7, v3;
	v4 =	vand.u32 $0xFFFFFFF0, v51  }
0x253: {  	v3 =	vor.u32 v3, v4  }
0x254: {  	v4 =	vperm.xlane v3, v0;
	_ =	sdelay $0x1  }
0x255: {  	v3 =	vperm.xlane v3, v2;
	v4 =	vadd.s32 v1, v4;
	_ =	sdelay $0x1  }
0x256: {  	v3 =	vadd.s32 v1, v3;
	_ =	sdelay $0x1  }
0x257: {  	s19 =	simm.s32 $0x3400  }
0x258: {  	[tilespmem:s19], [sflag:$0x1] =	stream.indirect_vreg.gather [hbm4b:s2+s3], $0x80, v4, vm0, $0xb8;
	[tilespmem:$0x18400] =	vst v63  }
0x259: {  	s19 =	simm.s32 $0x3C00  }
0x25a: {  	[tilespmem:s19], [sflag:$0x1] =	stream.indirect_vreg.gather [hbm4b:s2+s3], $0x80, v3, vm0, $0xb8;
	[tilespmem:$0x18400] =	vst v63  }
0x25b: {  	v3 =	vld [tilespmem:$0x340];
	_ =	sdelay $0x4  }
0x25c: {  	v52 =	vshll.u32 v3, $0x1  }
0x25d: {  	v3 =	vand.u32 $0x7, v3;
	v4 =	vand.u32 $0xFFFFFFF0, v52  }
0x25e: {  	v3 =	vor.u32 v3, v4  }
0x25f: {  	v4 =	vperm.xlane v3, v0;
	_ =	sdelay $0x1  }
0x260: {  	v3 =	vperm.xlane v3, v2;
	v4 =	vadd.s32 v1, v4;
	_ =	sdelay $0x1  }
0x261: {  	v3 =	vadd.s32 v1, v3;
	_ =	sdelay $0x2  }
0x262: {  	[tilespmem:s29], [sflag:$0x1] =	stream.indirect_vreg.gather [hbm4b:s2+s3], $0x80, v4, vm0, $0xb8;
	[tilespmem:$0x18400] =	vst v63  }
0x263: {  	_ = 	snop  }
0x264: {  	[tilespmem:s30], [sflag:$0x1] =	stream.indirect_vreg.gather [hbm4b:s2+s3], $0x80, v3, vm0, $0xb8;
	[tilespmem:$0x18400] =	vst v63  }
0x265: {  	v3 =	vld [tilespmem:$0x350];
	_ =	sdelay $0x4  }
0x266: {  	v53 =	vshll.u32 v3, $0x1  }
0x267: {  	v3 =	vand.u32 $0x7, v3;
	v4 =	vand.u32 $0xFFFFFFF0, v53  }
0x268: {  	v3 =	vor.u32 v3, v4  }
0x269: {  	v4 =	vperm.xlane v3, v0;
	_ =	sdelay $0x1  }
0x26a: {  	v3 =	vperm.xlane v3, v2;
	v4 =	vadd.s32 v1, v4;
	_ =	sdelay $0x1  }
0x26b: {  	v3 =	vadd.s32 v1, v3;
	_ =	sdelay $0x2  }
0x26c: {  	[tilespmem:s31], [sflag:$0x1] =	stream.indirect_vreg.gather [hbm4b:s2+s3], $0x80, v4, vm0, $0xb8;
	[tilespmem:$0x18400] =	vst v63  }
0x26d: {  	s19 =	simm.s32 $0x5C00  }
0x26e: {  	[tilespmem:s19], [sflag:$0x1] =	stream.indirect_vreg.gather [hbm4b:s2+s3], $0x80, v3, vm0, $0xb8;
	[tilespmem:$0x18400] =	vst v63  }
0x26f: {  	v3 =	vld [tilespmem:$0x360];
	_ =	sdelay $0x4  }
0x270: {  	v54 =	vshll.u32 v3, $0x1  }
0x271: {  	v3 =	vand.u32 $0x7, v3;
	v4 =	vand.u32 $0xFFFFFFF0, v54  }
0x272: {  	v3 =	vor.u32 v3, v4  }
0x273: {  	v4 =	vperm.xlane v3, v0;
	_ =	sdelay $0x1  }
0x274: {  	v3 =	vperm.xlane v3, v2;
	v4 =	vadd.s32 v1, v4;
	_ =	sdelay $0x1  }
0x275: {  	v3 =	vadd.s32 v1, v3;
	_ =	sdelay $0x1  }
0x276: {  	s19 =	simm.s32 $0x6400  }
0x277: {  	[tilespmem:s19], [sflag:$0x1] =	stream.indirect_vreg.gather [hbm4b:s2+s3], $0x80, v4, vm0, $0xb8;
	[tilespmem:$0x18400] =	vst v63  }
0x278: {  	s19 =	simm.s32 $0x6C00  }
0x279: {  	[tilespmem:s19], [sflag:$0x1] =	stream.indirect_vreg.gather [hbm4b:s2+s3], $0x80, v3, vm0, $0xb8;
	[tilespmem:$0x18400] =	vst v63  }
0x27a: {  	v3 =	vld [tilespmem:$0x370];
	_ =	sdelay $0x4  }
0x27b: {  	v55 =	vshll.u32 v3, $0x1  }
0x27c: {  	v3 =	vand.u32 $0x7, v3;
	v4 =	vand.u32 $0xFFFFFFF0, v55  }
0x27d: {  	v3 =	vor.u32 v3, v4  }
0x27e: {  	v4 =	vperm.xlane v3, v0;
	_ =	sdelay $0x1  }
0x27f: {  	v3 =	vperm.xlane v3, v2;
	v4 =	vadd.s32 v1, v4;
	_ =	sdelay $0x1  }
0x280: {  	v3 =	vadd.s32 v1, v3;
	_ =	sdelay $0x1  }
0x281: {  	s19 =	simm.s32 $0x7400  }
0x282: {  	[tilespmem:s19], [sflag:$0x1] =	stream.indirect_vreg.gather [hbm4b:s2+s3], $0x80, v4, vm0, $0xb8;
	[tilespmem:$0x18400] =	vst v63  }
0x283: {  	s19 =	simm.s32 $0x7C00  }
0x284: {  	[tilespmem:s19], [sflag:$0x1] =	stream.indirect_vreg.gather [hbm4b:s2+s3], $0x80, v3, vm0, $0xb8;
	[tilespmem:$0x18400] =	vst v63  }
0x285: {  	_ =	swait.ge [sflag:s15], $0x8000  }
0x286: {  	[sflag:s15] =	ssyncset.done $0x0  }
0x287: {  	s1 =	rddreg [dreg:$0x7];
	[sflag:s15] =	ssyncadd.s32 $0xFFFF8000  }
0x288: {  	[hbm4b:s1+s3] =	stream.linear.scatter [tilespmem:s23], [sflag:$0x5], $0x8000, $0x38;
	[tilespmem:$0x18400] =	vst v63  }
0x289: {  	_ =	swait.ge [sflag:s16], $0x8000  }
0x28a: {  	[sflag:s16] =	ssyncset.done $0x0  }
0x28b: {  	[sflag:s16] =	ssyncadd.s32 $0xFFFF8000  }
0x28c: {  	v3 =	vld [tilespmem:$0x380];
	_ =	sdelay $0x4  }
0x28d: {  	v56 =	vshll.u32 v3, $0x1  }
0x28e: {  	v3 =	vand.u32 $0x7, v3;
	v4 =	vand.u32 $0xFFFFFFF0, v56  }
0x28f: {  	v3 =	vor.u32 v3, v4  }
0x290: {  	v4 =	vperm.xlane v3, v0;
	_ =	sdelay $0x1  }
0x291: {  	v3 =	vperm.xlane v3, v2;
	v4 =	vadd.s32 v1, v4;
	_ =	sdelay $0x1  }
0x292: {  	v3 =	vadd.s32 v1, v3;
	_ =	sdelay $0x2  }
0x293: {  	[tilespmem:s23], [sflag:$0x2] =	stream.indirect_vreg.gather [hbm4b:s2+s3], $0x80, v4, vm0, $0xb8;
	[tilespmem:$0x18400] =	vst v63  }
0x294: {  	s19 =	simm.s32 $0x8C00  }
0x295: {  	[tilespmem:s19], [sflag:$0x2] =	stream.indirect_vreg.gather [hbm4b:s2+s3], $0x80, v3, vm0, $0xb8;
	[tilespmem:$0x18400] =	vst v63  }
0x296: {  	v3 =	vld [tilespmem:$0x390];
	_ =	sdelay $0x4  }
0x297: {  	v57 =	vshll.u32 v3, $0x1  }
0x298: {  	v3 =	vand.u32 $0x7, v3;
	v4 =	vand.u32 $0xFFFFFFF0, v57  }
0x299: {  	v3 =	vor.u32 v3, v4  }
0x29a: {  	v4 =	vperm.xlane v3, v0;
	_ =	sdelay $0x1  }
0x29b: {  	v3 =	vperm.xlane v3, v2;
	v4 =	vadd.s32 v1, v4;
	_ =	sdelay $0x1  }
0x29c: {  	v3 =	vadd.s32 v1, v3;
	_ =	sdelay $0x1  }
0x29d: {  	s19 =	simm.s32 $0x9400  }
0x29e: {  	[tilespmem:s19], [sflag:$0x2] =	stream.indirect_vreg.gather [hbm4b:s2+s3], $0x80, v4, vm0, $0xb8;
	[tilespmem:$0x18400] =	vst v63  }
0x29f: {  	s19 =	simm.s32 $0x9C00  }
0x2a0: {  	[tilespmem:s19], [sflag:$0x2] =	stream.indirect_vreg.gather [hbm4b:s2+s3], $0x80, v3, vm0, $0xb8;
	[tilespmem:$0x18400] =	vst v63  }
0x2a1: {  	v3 =	vld [tilespmem:$0x3A0];
	_ =	sdelay $0x4  }
0x2a2: {  	v58 =	vshll.u32 v3, $0x1  }
0x2a3: {  	v3 =	vand.u32 $0x7, v3;
	v4 =	vand.u32 $0xFFFFFFF0, v58  }
0x2a4: {  	v3 =	vor.u32 v3, v4  }
0x2a5: {  	v4 =	vperm.xlane v3, v0;
	_ =	sdelay $0x1  }
0x2a6: {  	v3 =	vperm.xlane v3, v2;
	v4 =	vadd.s32 v1, v4;
	_ =	sdelay $0x1  }
0x2a7: {  	v3 =	vadd.s32 v1, v3;
	_ =	sdelay $0x1  }
0x2a8: {  	s19 =	simm.s32 $0xA400  }
0x2a9: {  	[tilespmem:s19], [sflag:$0x2] =	stream.indirect_vreg.gather [hbm4b:s2+s3], $0x80, v4, vm0, $0xb8;
	[tilespmem:$0x18400] =	vst v63  }
0x2aa: {  	s19 =	simm.s32 $0xAC00  }
0x2ab: {  	[tilespmem:s19], [sflag:$0x2] =	stream.indirect_vreg.gather [hbm4b:s2+s3], $0x80, v3, vm0, $0xb8;
	[tilespmem:$0x18400] =	vst v63  }
0x2ac: {  	v3 =	vld [tilespmem:$0x3B0];
	_ =	sdelay $0x4  }
0x2ad: {  	v59 =	vshll.u32 v3, $0x1  }
0x2ae: {  	v3 =	vand.u32 $0x7, v3;
	v4 =	vand.u32 $0xFFFFFFF0, v59  }
0x2af: {  	v3 =	vor.u32 v3, v4  }
0x2b0: {  	v4 =	vperm.xlane v3, v0;
	_ =	sdelay $0x1  }
0x2b1: {  	v3 =	vperm.xlane v3, v2;
	v4 =	vadd.s32 v1, v4;
	_ =	sdelay $0x1  }
0x2b2: {  	v3 =	vadd.s32 v1, v3;
	_ =	sdelay $0x1  }
0x2b3: {  	s19 =	simm.s32 $0xB400  }
0x2b4: {  	[tilespmem:s19], [sflag:$0x2] =	stream.indirect_vreg.gather [hbm4b:s2+s3], $0x80, v4, vm0, $0xb8;
	[tilespmem:$0x18400] =	vst v63  }
0x2b5: {  	s19 =	simm.s32 $0xBC00  }
0x2b6: {  	[tilespmem:s19], [sflag:$0x2] =	stream.indirect_vreg.gather [hbm4b:s2+s3], $0x80, v3, vm0, $0xb8;
	[tilespmem:$0x18400] =	vst v63  }
0x2b7: {  	v3 =	vld [tilespmem:$0x3C0];
	_ =	sdelay $0x4  }
0x2b8: {  	v60 =	vshll.u32 v3, $0x1  }
0x2b9: {  	v3 =	vand.u32 $0x7, v3;
	v4 =	vand.u32 $0xFFFFFFF0, v60  }
0x2ba: {  	v3 =	vor.u32 v3, v4  }
0x2bb: {  	v4 =	vperm.xlane v3, v0;
	_ =	sdelay $0x1  }
0x2bc: {  	v3 =	vperm.xlane v3, v2;
	v4 =	vadd.s32 v1, v4;
	_ =	sdelay $0x1  }
0x2bd: {  	v3 =	vadd.s32 v1, v3;
	_ =	sdelay $0x1  }
0x2be: {  	s19 =	simm.s32 $0xC400  }
0x2bf: {  	[tilespmem:s19], [sflag:$0x2] =	stream.indirect_vreg.gather [hbm4b:s2+s3], $0x80, v4, vm0, $0xb8;
	[tilespmem:$0x18400] =	vst v63  }
0x2c0: {  	s19 =	simm.s32 $0xCC00  }
0x2c1: {  	[tilespmem:s19], [sflag:$0x2] =	stream.indirect_vreg.gather [hbm4b:s2+s3], $0x80, v3, vm0, $0xb8;
	[tilespmem:$0x18400] =	vst v63  }
0x2c2: {  	v3 =	vld [tilespmem:$0x3D0];
	_ =	sdelay $0x4  }
0x2c3: {  	v61 =	vshll.u32 v3, $0x1  }
0x2c4: {  	v3 =	vand.u32 $0x7, v3;
	v4 =	vand.u32 $0xFFFFFFF0, v61  }
0x2c5: {  	v3 =	vor.u32 v3, v4  }
0x2c6: {  	v4 =	vperm.xlane v3, v0;
	_ =	sdelay $0x1  }
0x2c7: {  	v3 =	vperm.xlane v3, v2;
	v4 =	vadd.s32 v1, v4;
	_ =	sdelay $0x1  }
0x2c8: {  	v3 =	vadd.s32 v1, v3;
	_ =	sdelay $0x1  }
0x2c9: {  	s19 =	simm.s32 $0xD400  }
0x2ca: {  	[tilespmem:s19], [sflag:$0x2] =	stream.indirect_vreg.gather [hbm4b:s2+s3], $0x80, v4, vm0, $0xb8;
	[tilespmem:$0x18400] =	vst v63  }
0x2cb: {  	s19 =	simm.s32 $0xDC00  }
0x2cc: {  	[tilespmem:s19], [sflag:$0x2] =	stream.indirect_vreg.gather [hbm4b:s2+s3], $0x80, v3, vm0, $0xb8;
	[tilespmem:$0x18400] =	vst v63  }
0x2cd: {  	v3 =	vld [tilespmem:$0x3E0];
	_ =	sdelay $0x4  }
0x2ce: {  	v62 =	vshll.u32 v3, $0x1  }
0x2cf: {  	v3 =	vand.u32 $0x7, v3;
	v4 =	vand.u32 $0xFFFFFFF0, v62  }
0x2d0: {  	v3 =	vor.u32 v3, v4  }
0x2d1: {  	v4 =	vperm.xlane v3, v0;
	_ =	sdelay $0x1  }
0x2d2: {  	v3 =	vperm.xlane v3, v2;
	v4 =	vadd.s32 v1, v4;
	_ =	sdelay $0x1  }
0x2d3: {  	v3 =	vadd.s32 v1, v3;
	_ =	sdelay $0x1  }
0x2d4: {  	s19 =	simm.s32 $0xE400  }
0x2d5: {  	[tilespmem:s19], [sflag:$0x2] =	stream.indirect_vreg.gather [hbm4b:s2+s3], $0x80, v4, vm0, $0xb8;
	[tilespmem:$0x18400] =	vst v63  }
0x2d6: {  	s19 =	simm.s32 $0xEC00  }
0x2d7: {  	[tilespmem:s19], [sflag:$0x2] =	stream.indirect_vreg.gather [hbm4b:s2+s3], $0x80, v3, vm0, $0xb8;
	[tilespmem:$0x18400] =	vst v63  }
0x2d8: {  	v3 =	vld [tilespmem:$0x3F0];
	_ =	sdelay $0x4  }
0x2d9: {  	v63 =	vshll.u32 v3, $0x1  }
0x2da: {  	v3 =	vand.u32 $0x7, v3;
	v4 =	vand.u32 $0xFFFFFFF0, v63  }
0x2db: {  	v3 =	vor.u32 v3, v4  }
0x2dc: {  	v4 =	vperm.xlane v3, v0;
	_ =	sdelay $0x1  }
0x2dd: {  	v3 =	vperm.xlane v3, v2;
	v4 =	vadd.s32 v1, v4;
	_ =	sdelay $0x1  }
0x2de: {  	v3 =	vadd.s32 v1, v3;
	_ =	sdelay $0x1  }
0x2df: {  	s19 =	simm.s32 $0xF400  }
0x2e0: {  	[tilespmem:s19], [sflag:$0x2] =	stream.indirect_vreg.gather [hbm4b:s2+s3], $0x80, v4, vm0, $0xb8;
	[tilespmem:$0x18400] =	vst v63  }
0x2e1: {  	s19 =	simm.s32 $0xFC00  }
0x2e2: {  	[tilespmem:s19], [sflag:$0x2] =	stream.indirect_vreg.gather [hbm4b:s2+s3], $0x80, v3, vm0, $0xb8;
	[tilespmem:$0x18400] =	vst v63  }
0x2e3: {  	_ =	swait.ge [sflag:s17], $0x8000  }
0x2e4: {  	[sflag:s17] =	ssyncset.done $0x0  }
0x2e5: {  	s1 =	rddreg [dreg:$0x8];
	[sflag:s17] =	ssyncadd.s32 $0xFFFF8000  }
0x2e6: {  	[hbm4b:s1+s3] =	stream.linear.scatter [tilespmem:s0], [sflag:$0x6], $0x8000, $0x38;
	[tilespmem:$0x18400] =	vst v63  }
0x2e7: {  	_ =	swait.ge [sflag:s13], $0x8000  }
0x2e8: {  	[sflag:s13] =	ssyncset.done $0x0  }
0x2e9: {  	s0 =	rddreg [dreg:$0x9];
	[sflag:s13] =	ssyncadd.s32 $0xFFFF8000  }
0x2ea: {  	[hbm4b:s0+s3] =	stream.linear.scatter [tilespmem:s28], [sflag:$0x4], $0x8000, $0x38;
	[tilespmem:$0x18400] =	vst v63  }
0x2eb: {  	_ =	swait.ge [sflag:s15], $0x8000  }
0x2ec: {  	[sflag:s15] =	ssyncset.done $0x0  }
0x2ed: {  	s1 =	rddreg [dreg:$0xa];
	[sflag:s15] =	ssyncadd.s32 $0xFFFF8000  }
0x2ee: {  	[hbm4b:s1+s3] =	stream.linear.scatter [tilespmem:s23], [sflag:$0x5], $0x8000, $0x38;
	[tilespmem:$0x18400] =	vst v63  }
0x2ef: {  	_ =	swait.ge [sflag:s18], $0x8000  }
0x2f0: {  	[sflag:s18] =	ssyncset.done $0x0  }
0x2f1: {  	[sflag:s18] =	ssyncadd.s32 $0xFFFF8000  }
0x2f2: {  	p0 =	sne.s32 s5, $0x1;
	_ =	swait.ge [sflag:s14], $0x8000  }
.Ltmp0:
0x2f3: {  	[sflag:s14] =	ssyncset.done $0x0;
	(pc) =	sbr.rel @p0 .LBB2_1-.Ltmp0, $4  }
0x2f4: {  	[sflag:s14] =	ssyncadd.s32 $0xFFFF8000  }
0x2f5: {  	_ =	swait.ge [sflag:s16], $0x8000  }
0x2f6: {  	[sflag:s16] =	ssyncset.done $0x0  }
0x2f7: {  	s5 =	sadd.s32 $0xFFFFFFFF, s5;
	[sflag:s16] =	ssyncadd.s32 $0xFFFF8000  }
0x2f8: {  	_ =	sfence.sel $0x180000  }
0x2f9: {  	[bflag:$0x0] =	sbarrier.arrive $0xFFFF  }
0x2fa: {  	_ =	strace $0x90000047  }
0x2fb: {  	s0 =	stileid.u32;
	[bflag:$0x2] =	sbarrier.arrive $0xFFFF  }
0x2fc: {  	p0 =	sne.s32 s0, $0x0;
	s0 =	rddreg [dreg:$0x2]  }
0x2fd: {  	s0 =	sadd.s32 @!p0 $0x100000, s0  }
0x2fe: {  	[sflag:s0] =	ssyncadd.tile.s32 @!p0 $0x1;
	_ =	shalt  }
.Lfunc_end2:
_tile_overlayer_lowered:
.L_overlay_start_2:
0x2ff: {  	(tag) =	ssettag $0x2  }
0x300: {  	s0 =	rddreg [dreg:$0x0];
	s2 =	stileid.u32  }
0x301: {  	s1 =	rddreg [dreg:$0x1];
	p0 =	sne.s32 s2, $0x0  }
0x302: {  	s3 =	rddreg [dreg:$0x2];
	[bflag:$0x3] =	sbarrier.arrive $0xFFFF;
	s2 =	simm.s32 @!p0 $0x1C07  }
0x303: {  	[timem:s3], [sflag:s2] =	dma.local @!p0 [hbm:s0], s1  }
0x304: {  	s0 =	simm.s32 @!p0 $0x7  }
0x305: {  	_ =	swait.ge @!p0 [sflag:s0], s1  }
0x306: {  	s1 =	ssub.s32 @!p0 $0x0, s1;
	[sflag:s0] =	ssyncset.done @!p0 $0x0  }
0x307: {  	[sflag:s0] =	ssyncadd.s32 @!p0 s1  }
0x308: {  	[bflag:$0x3] =	sbarrier.arrive $0xFFFF  }
0x309: {  	_ =	shalt  }

</sc_bundles>
